<compile_context>
chip_gen: v7x
topology: tpu7x:2x2x1
jax: 0.10.2.dev20260603
libtpu: 0.0.44.dev20260713+nightly
codegen_flags: <defaults>
</compile_context>

<pallas_src>
import functools

import jax
import jax.numpy as jnp
from jax import lax
from jax.experimental import pallas as pl
from jax.experimental.pallas import tpu as pltpu
from jax.experimental.pallas import tpu_sc as plsc

N_NODES = 10000
D = 128
L = 16
NC, NS = 2, 16
NW = NC * NS
CH = 128
CPT = 80
EPT = CH * CPT
E_PAD = NW * EPT
HC0 = 64
HC1 = 16
HCMX = max(HC0, HC1)
ACC_ROWS = 10112
RPS = ACC_ROWS // NS

_MESH = plsc.VectorSubcoreMesh(
    core_axis_name="c", subcore_axis_name="s", num_cores=NC, num_subcores=NS)


@functools.partial(
    pl.kernel,
    out_type=jax.ShapeDtypeStruct((NW, ACC_ROWS), jnp.int32),
    mesh=_MESH,
    scratch_types=[
        pltpu.VMEM((CPT, CH), jnp.int32),
        pltpu.VMEM((ACC_ROWS,), jnp.int32),
    ],
    compiler_params=pltpu.CompilerParams(needs_layout_passes=False),
)
def _sc_hist(dst_hbm, out_hbm, idx_v, hist_v):
    c = lax.axis_index("c")
    s = lax.axis_index("s")
    wid = s * NC + c

    @pl.loop(0, ACC_ROWS // L)
    def _(i):
        hist_v[pl.ds(i * L, L)] = jnp.zeros((L,), jnp.int32)

    pltpu.sync_copy(dst_hbm.at[wid], idx_v)

    @pl.loop(0, CPT)
    def _(j):
        for k in range(CH // L):
            d16 = idx_v[j, pl.ds(k * L, L)]
            cnt, last = plsc.scan_count(d16)
            plsc.addupdate_scatter(hist_v, [d16], cnt, mask=last)

    pltpu.sync_copy(hist_v, out_hbm.at[wid])


@functools.partial(
    pl.kernel,
    out_type=jax.ShapeDtypeStruct((NC, ACC_ROWS, D), jnp.float32),
    mesh=_MESH,
    scratch_types=[
        pltpu.VMEM((HCMX, CH), jnp.int32),
        pltpu.VMEM((HCMX, CH), jnp.int32),
        pltpu.VMEM((2 * CH, D), jnp.float32),
        pltpu.VMEM_SHARED((ACC_ROWS, D), jnp.float32),
        pltpu.SemaphoreType.DMA,
    ],
)
def _sc_gather_scatter(g_hbm, src_hbm, dst_hbm, zeros_hbm, out_hbm,
                       src_v, dst_v, rows2, acc_sh, sga):
    c = lax.axis_index("c")
    s = lax.axis_index("s")

    def scatter(j, off):
        pltpu.sync_copy(rows2.at[pl.ds(off, CH)],
                        acc_sh.at[dst_v.at[j]], add=True)

    @pl.loop(0, RPS // CH)
    def _(k):
        pltpu.sync_copy(zeros_hbm, acc_sh.at[pl.ds(s * RPS + k * CH, CH)])

    if RPS % CH:
        pltpu.sync_copy(
            zeros_hbm.at[pl.ds(0, RPS % CH)],
            acc_sh.at[pl.ds(s * RPS + (RPS // CH) * CH, RPS % CH)])

    plsc.subcore_barrier()

    hc = jnp.where(c == 0, HC0, HC1)
    for half in range(2):
        pltpu.sync_copy(src_hbm.at[c, s, pl.ds(half * hc, HCMX)], src_v)
        pltpu.sync_copy(dst_hbm.at[c, s, pl.ds(half * hc, HCMX)], dst_v)

        @pl.loop(0, hc + 1)
        def _(t):
            @pl.when(t < hc)
            def _():
                pltpu.async_copy(g_hbm.at[src_v.at[t]],
                                 rows2.at[pl.ds((t % 2) * CH, CH)], sga)

            @pl.when(t > 0)
            def _():
                scatter(t - 1, ((t - 1) % 2) * CH)

            @pl.when(t < hc)
            def _():
                pltpu.make_async_copy(g_hbm.at[src_v.at[t]],
                                      rows2.at[pl.ds((t % 2) * CH, CH)],
                                      sga).wait()

    plsc.subcore_barrier()
    pltpu.sync_copy(acc_sh.at[pl.ds(s * RPS, RPS)],
                    out_hbm.at[c, pl.ds(s * RPS, RPS)])


def _tc_pre_body(x_ref, w1_ref, hist_ref, g_ref, dinv_ref):
    deg = jnp.sum(hist_ref[...].astype(jnp.float32), axis=1, keepdims=True) + 1.0
    dinv = lax.rsqrt(deg)
    dinv_ref[...] = dinv
    h = jnp.dot(x_ref[...], w1_ref[...], preferred_element_type=jnp.float32)
    g_ref[...] = h * dinv[:N_NODES]


_tc_pre = pl.pallas_call(
    _tc_pre_body,
    out_shape=[
        jax.ShapeDtypeStruct((N_NODES, D), jnp.float32),
        jax.ShapeDtypeStruct((ACC_ROWS, 1), jnp.float32),
    ],
)


def _tc_post_body(p_ref, g_ref, dinv_ref, b1_ref, w2_ref, b2_ref, o_ref):
    acc = p_ref[0, :N_NODES, :] + p_ref[1, :N_NODES, :] + g_ref[...]
    h1 = jnp.maximum(acc * dinv_ref[:N_NODES] + b1_ref[...], 0.0)
    o_ref[...] = (jnp.dot(h1, w2_ref[...], preferred_element_type=jnp.float32)
                  + b2_ref[...])


_tc_post = pl.pallas_call(
    _tc_post_body,
    out_shape=jax.ShapeDtypeStruct((N_NODES, D), jnp.float32),
)


def kernel(x, edge_index, W1, b1, W2, b2):
    ei = edge_index.astype(jnp.int32)
    n_edges = ei.shape[1]
    pad = E_PAD - n_edges
    src = jnp.concatenate([ei[0], jnp.zeros((pad,), jnp.int32)])
    dst = jnp.concatenate([ei[1], jnp.full((pad,), N_NODES, jnp.int32)])
    src3 = src.reshape(NW, CPT, CH)
    dst3 = dst.reshape(NW, CPT, CH)
    zeros_d = jnp.zeros((CH, D), jnp.float32)

    def split_core(v):
        n0 = NS * 2 * HC0 * CH
        c0 = v[:n0].reshape(NS, 2 * HC0, CH)
        c1 = v[n0:].reshape(NS, 2 * HC1, CH)
        rows = 2 * HCMX
        c0p = jnp.pad(c0, ((0, 0), (0, rows - 2 * HC0), (0, 0)))
        c1p = jnp.pad(c1, ((0, 0), (0, rows - 2 * HC1), (0, 0)))
        return jnp.stack([c0p, c1p])

    src_g = split_core(src)
    dst_g = split_core(dst)

    hist = _sc_hist(dst3)
    g, dinv = _tc_pre(x, W1, hist.T)
    parts = _sc_gather_scatter(g, src_g, dst_g, zeros_d)
    return _tc_post(parts, g, dinv, b1, W2, b2)

# --- scband reference (transcript-rebuilt; emitter-appended) ---
"""Pipeline reference for scband-gcn-1425929142718 (READ-ONLY COPY).

The authoritative reference and input builder live on the scoring server;
editing this copy changes nothing except your own understanding.
"""

import jax, jax.numpy as jnp
import numpy as np

N_NODES = 10000
N_EDGES = 320000
D_IN = 128
D_HID = 128
D_OUT = 128


def setup_inputs(seed: int = 0) -> dict:
    key = jax.random.key(seed)
    k1, k2, k3, k4, k5, k6 = jax.random.split(key, 6)
    x = jax.random.normal(k1, (N_NODES, D_IN), dtype=jnp.float32)
    edge_index = jax.random.randint(k2, (2, N_EDGES), 0, N_NODES, dtype=jnp.int64)
    # GCNConv params (PyG-style: linear without bias, bias added after aggregation)
    W1 = jax.random.normal(k3, (D_IN, D_HID), dtype=jnp.float32) * (1.0 / np.sqrt(D_IN))
    b1 = jnp.zeros((D_HID,), dtype=jnp.float32)
    # final Linear head
    W2 = jax.random.normal(k4, (D_HID, D_OUT), dtype=jnp.float32) * (1.0 / np.sqrt(D_HID))
    b2 = jax.random.normal(k5, (D_OUT,), dtype=jnp.float32) * 0.01
    return {"x": x, "edge_index": edge_index, "W1": W1, "b1": b1, "W2": W2, "b2": b2}


def _gcn_conv(x, edge_index, W, b, num_nodes):
    src = edge_index[0]
    dst = edge_index[1]
    # add self-loops
    loop = jnp.arange(num_nodes, dtype=edge_index.dtype)
    src = jnp.concatenate([src, loop])
    dst = jnp.concatenate([dst, loop])
    # symmetric normalization D^-1/2 (A+I) D^-1/2
    deg = jnp.zeros((num_nodes,), dtype=x.dtype).at[dst].add(1.0)
    dinv = jnp.where(deg > 0, deg ** -0.5, 0.0)
    norm = dinv[src] * dinv[dst]
    h = x @ W
    msg = h[src] * norm[:, None]
    out = jax.ops.segment_sum(msg, dst, num_segments=num_nodes)
    return out + b


def reference(x, edge_index, W1, b1, W2, b2):
    h = _gcn_conv(x, edge_index, W1, b1, N_NODES)
    h = jax.nn.relu(h)
    # dropout p=0.0 -> identity
    out = h @ W2 + b2
    return out

if __name__ == "__main__":
    import jax
    _d = setup_inputs()
    print(jax.jit(kernel)(*tuple(_d.values())))

</pallas_src>

<mosaic_0001>
#map = affine_map<(d0, d1) -> (0, 0, 0)>
#map1 = affine_map<(d0, d1) -> (0, 0)>
module attributes {stable_mosaic.version = 14 : i64} {
  func.func @_sc_hist(%arg0: i32, %arg1: i32, %arg2: memref<32x80x128xi32, #tpu.memory_space<hbm>>, %arg3: memref<32x10112xi32, #tpu.memory_space<hbm>>, %arg4: memref<80x128xi32, #tpu.memory_space<vmem>>, %arg5: memref<10112xi32, #tpu.memory_space<vmem>>) attributes {dimension_semantics = [#tpu.dimension_semantics<core_parallel>, #tpu.dimension_semantics<subcore_parallel>], iteration_bounds = array<i64: 2, 16>, scalar_prefetch = 0 : i64, scratch_operands = 2 : i64, tpu.core_type = #tpu.core_type<sc_vector_subcore>, window_params = [{transform_indices = #map}, {transform_indices = #map1}]} {
    %mul3A = arith.constant 2 : i32
    %mul3A_0 = arith.muli %arg1, %mul3A : i32
    %add3A = arith.addi %mul3A_0, %arg0 : i32
    %scan3A = arith.constant 0 : i32
    %scan3A_1 = arith.constant 632 : i32
    %scan3A_2 = arith.addi %scan3A, %scan3A_1 : i32
    %scan3A_3 = arith.constant 1 : i32
    scf.for %scan3A_10 = %scan3A to %scan3A_2 step %scan3A_3  : i32 {
      %mul3A_11 = arith.constant 1 : i32
      %mul3A_12 = arith.muli %scan3A_10, %mul3A_11 : i32
      %add3A_13 = arith.constant 0 : i32
      %add3A_14 = arith.addi %add3A_13, %mul3A_12 : i32
      %broadcast_in_dim3A = arith.constant 0 : i32
      %broadcast_in_dim3A_15 = vector.broadcast %broadcast_in_dim3A : i32 to vector<16xi32>
      %mul3A_16 = arith.constant 16 : i32
      %mul3A_17 = arith.muli %add3A_14, %mul3A_16 : i32
      %swap3A = arith.index_cast %mul3A_17 : i32 to index
      %swap3A_18 = tpu.vector_load %arg5[%swap3A] {strides = array<i32>} : memref<10112xi32, #tpu.memory_space<vmem>>, vector<16xi32>,
      tpu.vector_store %arg5[%swap3A], %broadcast_in_dim3A_15 {strides = array<i32>} : memref<10112xi32, #tpu.memory_space<vmem>>, vector<16xi32>,
    }
    %scan3A_4 = arith.constant 632 : i32
    "tpu.region"() ({
      %run_scoped3A = tpu.sem_alloc : memref<!tpu.dma_semaphore, #tpu.memory_space<semaphore_mem>>
      %dma_start3A = arith.constant 0 : i32
      %dma_start3A_10 = arith.constant 0 : i32
      %dma_start3A_11 = tpu.memref_slice %arg2[%add3A, %dma_start3A, %dma_start3A_10] : memref<32x80x128xi32, #tpu.memory_space<hbm>> -> memref<1x80x128xi32, #tpu.memory_space<hbm>>
      %dma_start3A_12 = tpu.memref_squeeze %dma_start3A_11 : memref<1x80x128xi32, #tpu.memory_space<hbm>> -> memref<80x128xi32, #tpu.memory_space<hbm>>
      %dma_start3A_13 = arith.constant 0 : i32
      %dma_start3A_14 = arith.constant 0 : i32
      %dma_start3A_15 = tpu.memref_slice %arg2[%add3A, %dma_start3A_13, %dma_start3A_14] : memref<32x80x128xi32, #tpu.memory_space<hbm>> -> memref<1x80x128xi32, #tpu.memory_space<hbm>>
      %dma_start3A_16 = tpu.memref_squeeze %dma_start3A_15 : memref<1x80x128xi32, #tpu.memory_space<hbm>> -> memref<80x128xi32, #tpu.memory_space<hbm>>
      tpu.enqueue_dma source(%dma_start3A_16 : memref<80x128xi32, #tpu.memory_space<hbm>>) target(%arg4 : memref<80x128xi32, #tpu.memory_space<vmem>>) target_semaphore(%run_scoped3A : memref<!tpu.dma_semaphore, #tpu.memory_space<semaphore_mem>>)
      %dma_wait3A = arith.constant 0 : i32
      %dma_wait3A_17 = arith.constant 0 : i32
      %dma_wait3A_18 = tpu.memref_slice %arg2[%add3A, %dma_wait3A, %dma_wait3A_17] : memref<32x80x128xi32, #tpu.memory_space<hbm>> -> memref<1x80x128xi32, #tpu.memory_space<hbm>>
      %dma_wait3A_19 = tpu.memref_squeeze %dma_wait3A_18 : memref<1x80x128xi32, #tpu.memory_space<hbm>> -> memref<80x128xi32, #tpu.memory_space<hbm>>
      %dma_wait3A_20 = arith.constant 0 : i32
      %dma_wait3A_21 = arith.constant 0 : i32
      %dma_wait3A_22 = tpu.memref_slice %arg2[%add3A, %dma_wait3A_20, %dma_wait3A_21] : memref<32x80x128xi32, #tpu.memory_space<hbm>> -> memref<1x80x128xi32, #tpu.memory_space<hbm>>
      %dma_wait3A_23 = tpu.memref_squeeze %dma_wait3A_22 : memref<1x80x128xi32, #tpu.memory_space<hbm>> -> memref<80x128xi32, #tpu.memory_space<hbm>>
      tpu.wait_dma2 semaphore(%run_scoped3A : memref<!tpu.dma_semaphore, #tpu.memory_space<semaphore_mem>>) src(%dma_wait3A_23 : memref<80x128xi32, #tpu.memory_space<hbm>>) dst(%arg4 : memref<80x128xi32, #tpu.memory_space<vmem>>)
      tpu.yield
    }) : () -> ()
    %scan3A_5 = arith.constant 0 : i32
    %scan3A_6 = arith.constant 80 : i32
    %scan3A_7 = arith.addi %scan3A_5, %scan3A_6 : i32
    %scan3A_8 = arith.constant 1 : i32
    scf.for %scan3A_10 = %scan3A_5 to %scan3A_7 step %scan3A_8  : i32 {
      %mul3A_11 = arith.constant 1 : i32
      %mul3A_12 = arith.muli %scan3A_10, %mul3A_11 : i32
      %add3A_13 = arith.constant 0 : i32
      %add3A_14 = arith.addi %add3A_13, %mul3A_12 : i32
      %get3A = arith.index_cast %add3A_14 : i32 to index
      %get3A_15 = arith.constant 0 : index
      %get3A_16 = tpu.vector_load %arg4[%get3A, %get3A_15] {strides = array<i32>} : memref<80x128xi32, #tpu.memory_space<vmem>>, vector<16xi32>,
      %broadcast_in_dim3A = arith.constant true
      %broadcast_in_dim3A_17 = vector.broadcast %broadcast_in_dim3A : i1 to vector<16xi1>
      %unique3A, %unique3A_18 = tpu.scan_count mask(%broadcast_in_dim3A_17 : vector<16xi1>) value(%get3A_16 : vector<16xi32>) : vector<16xi1>, vector<16xi32>
      tpu.vector_store_idx %arg5[%get3A_16], %unique3A_18 masked %unique3A {add = true} : memref<10112xi32, #tpu.memory_space<vmem>>[vector<16xi32>], vector<16xi32>, vector<16xi1>
      %get3A_19 = arith.index_cast %add3A_14 : i32 to index
      %get3A_20 = arith.constant 16 : index
      %get3A_21 = tpu.vector_load %arg4[%get3A_19, %get3A_20] {strides = array<i32>} : memref<80x128xi32, #tpu.memory_space<vmem>>, vector<16xi32>,
      %broadcast_in_dim3A_22 = arith.constant true
      %broadcast_in_dim3A_23 = vector.broadcast %broadcast_in_dim3A_22 : i1 to vector<16xi1>
      %unique3A_24, %unique3A_25 = tpu.scan_count mask(%broadcast_in_dim3A_23 : vector<16xi1>) value(%get3A_21 : vector<16xi32>) : vector<16xi1>, vector<16xi32>
      tpu.vector_store_idx %arg5[%get3A_21], %unique3A_25 masked %unique3A_24 {add = true} : memref<10112xi32, #tpu.memory_space<vmem>>[vector<16xi32>], vector<16xi32>, vector<16xi1>
      %get3A_26 = arith.index_cast %add3A_14 : i32 to index
      %get3A_27 = arith.constant 32 : index
      %get3A_28 = tpu.vector_load %arg4[%get3A_26, %get3A_27] {strides = array<i32>} : memref<80x128xi32, #tpu.memory_space<vmem>>, vector<16xi32>,
      %broadcast_in_dim3A_29 = arith.constant true
      %broadcast_in_dim3A_30 = vector.broadcast %broadcast_in_dim3A_29 : i1 to vector<16xi1>
      %unique3A_31, %unique3A_32 = tpu.scan_count mask(%broadcast_in_dim3A_30 : vector<16xi1>) value(%get3A_28 : vector<16xi32>) : vector<16xi1>, vector<16xi32>
      tpu.vector_store_idx %arg5[%get3A_28], %unique3A_32 masked %unique3A_31 {add = true} : memref<10112xi32, #tpu.memory_space<vmem>>[vector<16xi32>], vector<16xi32>, vector<16xi1>
      %get3A_33 = arith.index_cast %add3A_14 : i32 to index
      %get3A_34 = arith.constant 48 : index
      %get3A_35 = tpu.vector_load %arg4[%get3A_33, %get3A_34] {strides = array<i32>} : memref<80x128xi32, #tpu.memory_space<vmem>>, vector<16xi32>,
      %broadcast_in_dim3A_36 = arith.constant true
      %broadcast_in_dim3A_37 = vector.broadcast %broadcast_in_dim3A_36 : i1 to vector<16xi1>
      %unique3A_38, %unique3A_39 = tpu.scan_count mask(%broadcast_in_dim3A_37 : vector<16xi1>) value(%get3A_35 : vector<16xi32>) : vector<16xi1>, vector<16xi32>
      tpu.vector_store_idx %arg5[%get3A_35], %unique3A_39 masked %unique3A_38 {add = true} : memref<10112xi32, #tpu.memory_space<vmem>>[vector<16xi32>], vector<16xi32>, vector<16xi1>
      %get3A_40 = arith.index_cast %add3A_14 : i32 to index
      %get3A_41 = arith.constant 64 : index
      %get3A_42 = tpu.vector_load %arg4[%get3A_40, %get3A_41] {strides = array<i32>} : memref<80x128xi32, #tpu.memory_space<vmem>>, vector<16xi32>,
      %broadcast_in_dim3A_43 = arith.constant true
      %broadcast_in_dim3A_44 = vector.broadcast %broadcast_in_dim3A_43 : i1 to vector<16xi1>
      %unique3A_45, %unique3A_46 = tpu.scan_count mask(%broadcast_in_dim3A_44 : vector<16xi1>) value(%get3A_42 : vector<16xi32>) : vector<16xi1>, vector<16xi32>
      tpu.vector_store_idx %arg5[%get3A_42], %unique3A_46 masked %unique3A_45 {add = true} : memref<10112xi32, #tpu.memory_space<vmem>>[vector<16xi32>], vector<16xi32>, vector<16xi1>
      %get3A_47 = arith.index_cast %add3A_14 : i32 to index
      %get3A_48 = arith.constant 80 : index
      %get3A_49 = tpu.vector_load %arg4[%get3A_47, %get3A_48] {strides = array<i32>} : memref<80x128xi32, #tpu.memory_space<vmem>>, vector<16xi32>,
      %broadcast_in_dim3A_50 = arith.constant true
      %broadcast_in_dim3A_51 = vector.broadcast %broadcast_in_dim3A_50 : i1 to vector<16xi1>
      %unique3A_52, %unique3A_53 = tpu.scan_count mask(%broadcast_in_dim3A_51 : vector<16xi1>) value(%get3A_49 : vector<16xi32>) : vector<16xi1>, vector<16xi32>
      tpu.vector_store_idx %arg5[%get3A_49], %unique3A_53 masked %unique3A_52 {add = true} : memref<10112xi32, #tpu.memory_space<vmem>>[vector<16xi32>], vector<16xi32>, vector<16xi1>
      %get3A_54 = arith.index_cast %add3A_14 : i32 to index
      %get3A_55 = arith.constant 96 : index
      %get3A_56 = tpu.vector_load %arg4[%get3A_54, %get3A_55] {strides = array<i32>} : memref<80x128xi32, #tpu.memory_space<vmem>>, vector<16xi32>,
      %broadcast_in_dim3A_57 = arith.constant true
      %broadcast_in_dim3A_58 = vector.broadcast %broadcast_in_dim3A_57 : i1 to vector<16xi1>
      %unique3A_59, %unique3A_60 = tpu.scan_count mask(%broadcast_in_dim3A_58 : vector<16xi1>) value(%get3A_56 : vector<16xi32>) : vector<16xi1>, vector<16xi32>
      tpu.vector_store_idx %arg5[%get3A_56], %unique3A_60 masked %unique3A_59 {add = true} : memref<10112xi32, #tpu.memory_space<vmem>>[vector<16xi32>], vector<16xi32>, vector<16xi1>
      %get3A_61 = arith.index_cast %add3A_14 : i32 to index
      %get3A_62 = arith.constant 112 : index
      %get3A_63 = tpu.vector_load %arg4[%get3A_61, %get3A_62] {strides = array<i32>} : memref<80x128xi32, #tpu.memory_space<vmem>>, vector<16xi32>,
      %broadcast_in_dim3A_64 = arith.constant true
      %broadcast_in_dim3A_65 = vector.broadcast %broadcast_in_dim3A_64 : i1 to vector<16xi1>
      %unique3A_66, %unique3A_67 = tpu.scan_count mask(%broadcast_in_dim3A_65 : vector<16xi1>) value(%get3A_63 : vector<16xi32>) : vector<16xi1>, vector<16xi32>
      tpu.vector_store_idx %arg5[%get3A_63], %unique3A_67 masked %unique3A_66 {add = true} : memref<10112xi32, #tpu.memory_space<vmem>>[vector<16xi32>], vector<16xi32>, vector<16xi1>
    }
    %scan3A_9 = arith.constant 80 : i32
    "tpu.region"() ({
      %run_scoped3A = tpu.sem_alloc : memref<!tpu.dma_semaphore, #tpu.memory_space<semaphore_mem>>
      %dma_start3A = arith.constant 0 : i32
      %dma_start3A_10 = tpu.memref_slice %arg3[%add3A, %dma_start3A] : memref<32x10112xi32, #tpu.memory_space<hbm>> -> memref<1x10112xi32, #tpu.memory_space<hbm>>
      %dma_start3A_11 = tpu.memref_squeeze %dma_start3A_10 : memref<1x10112xi32, #tpu.memory_space<hbm>> -> memref<10112xi32, #tpu.memory_space<hbm>>
      %dma_start3A_12 = arith.constant 0 : i32
      %dma_start3A_13 = tpu.memref_slice %arg3[%add3A, %dma_start3A_12] : memref<32x10112xi32, #tpu.memory_space<hbm>> -> memref<1x10112xi32, #tpu.memory_space<hbm>>
      %dma_start3A_14 = tpu.memref_squeeze %dma_start3A_13 : memref<1x10112xi32, #tpu.memory_space<hbm>> -> memref<10112xi32, #tpu.memory_space<hbm>>
      tpu.enqueue_dma source(%arg5 : memref<10112xi32, #tpu.memory_space<vmem>>) target(%dma_start3A_14 : memref<10112xi32, #tpu.memory_space<hbm>>) target_semaphore(%run_scoped3A : memref<!tpu.dma_semaphore, #tpu.memory_space<semaphore_mem>>)
      %dma_wait3A = arith.constant 0 : i32
      %dma_wait3A_15 = tpu.memref_slice %arg3[%add3A, %dma_wait3A] : memref<32x10112xi32, #tpu.memory_space<hbm>> -> memref<1x10112xi32, #tpu.memory_space<hbm>>
      %dma_wait3A_16 = tpu.memref_squeeze %dma_wait3A_15 : memref<1x10112xi32, #tpu.memory_space<hbm>> -> memref<10112xi32, #tpu.memory_space<hbm>>
      %dma_wait3A_17 = arith.constant 0 : i32
      %dma_wait3A_18 = tpu.memref_slice %arg3[%add3A, %dma_wait3A_17] : memref<32x10112xi32, #tpu.memory_space<hbm>> -> memref<1x10112xi32, #tpu.memory_space<hbm>>
      %dma_wait3A_19 = tpu.memref_squeeze %dma_wait3A_18 : memref<1x10112xi32, #tpu.memory_space<hbm>> -> memref<10112xi32, #tpu.memory_space<hbm>>
      tpu.wait_dma2 semaphore(%run_scoped3A : memref<!tpu.dma_semaphore, #tpu.memory_space<semaphore_mem>>) src(%arg5 : memref<10112xi32, #tpu.memory_space<vmem>>) dst(%dma_wait3A_19 : memref<10112xi32, #tpu.memory_space<hbm>>)
      tpu.yield
    }) : () -> ()
    return
  }
}

#map = affine_map<(d0, d1) -> (0, 0)>
#map1 = affine_map<(d0, d1) -> (0, 0, 0, 0)>
#map2 = affine_map<(d0, d1) -> (0, 0, 0)>
module attributes {stable_mosaic.version = 14 : i64} {
  func.func @_sc_gather_scatter(%arg0: i32, %arg1: i32, %arg2: memref<10000x128xf32, #tpu.memory_space<hbm>>, %arg3: memref<2x16x128x128xi32, #tpu.memory_space<hbm>>, %arg4: memref<2x16x128x128xi32, #tpu.memory_space<hbm>>, %arg5: memref<128x128xf32, #tpu.memory_space<hbm>>, %arg6: memref<2x10112x128xf32, #tpu.memory_space<hbm>>, %arg7: memref<64x128xi32, #tpu.memory_space<vmem>>, %arg8: memref<64x128xi32, #tpu.memory_space<vmem>>, %arg9: memref<256x128xf32, #tpu.memory_space<vmem>>, %arg10: memref<10112x128xf32, #tpu.memory_space<vmem_shared>>, %arg11: memref<!tpu.dma_semaphore, #tpu.memory_space<semaphore_mem>>) attributes {dimension_semantics = [#tpu.dimension_semantics<core_parallel>, #tpu.dimension_semantics<subcore_parallel>], iteration_bounds = array<i64: 2, 16>, scalar_prefetch = 0 : i64, scratch_operands = 5 : i64, tpu.core_type = #tpu.core_type<sc_vector_subcore>, window_params = [{transform_indices = #map}, {transform_indices = #map1}, {transform_indices = #map1}, {transform_indices = #map}, {transform_indices = #map2}]} {
    %scan3A = arith.constant 0 : i32
    %scan3A_0 = arith.constant 4 : i32
    %scan3A_1 = arith.addi %scan3A, %scan3A_0 : i32
    %scan3A_2 = arith.constant 1 : i32
    scf.for %scan3A_60 = %scan3A to %scan3A_1 step %scan3A_2  : i32 {
      %mul3A_61 = arith.constant 1 : i32
      %mul3A_62 = arith.muli %scan3A_60, %mul3A_61 : i32
      %add3A_63 = arith.constant 0 : i32
      %add3A_64 = arith.addi %add3A_63, %mul3A_62 : i32
      %mul3A_65 = arith.constant 632 : i32
      %mul3A_66 = arith.muli %arg1, %mul3A_65 : i32
      %mul3A_67 = arith.constant 128 : i32
      %mul3A_68 = arith.muli %add3A_64, %mul3A_67 : i32
      %add3A_69 = arith.addi %mul3A_66, %mul3A_68 : i32
      "tpu.region"() ({
        %run_scoped3A = tpu.sem_alloc : memref<!tpu.dma_semaphore, #tpu.memory_space<semaphore_mem>>
        %dma_start3A = arith.constant 0 : i32
        %dma_start3A_70 = tpu.memref_slice %arg10[%add3A_69, %dma_start3A] : memref<10112x128xf32, #tpu.memory_space<vmem_shared>> -> memref<128x128xf32, #tpu.memory_space<vmem_shared>>
        tpu.enqueue_dma source(%arg5 : memref<128x128xf32, #tpu.memory_space<hbm>>) target(%dma_start3A_70 : memref<128x128xf32, #tpu.memory_space<vmem_shared>>) target_semaphore(%run_scoped3A : memref<!tpu.dma_semaphore, #tpu.memory_space<semaphore_mem>>)
        %dma_wait3A = arith.constant 0 : i32
        %dma_wait3A_71 = tpu.memref_slice %arg10[%add3A_69, %dma_wait3A] : memref<10112x128xf32, #tpu.memory_space<vmem_shared>> -> memref<128x128xf32, #tpu.memory_space<vmem_shared>>
        tpu.wait_dma2 semaphore(%run_scoped3A : memref<!tpu.dma_semaphore, #tpu.memory_space<semaphore_mem>>) src(%arg5 : memref<128x128xf32, #tpu.memory_space<hbm>>) dst(%dma_wait3A_71 : memref<128x128xf32, #tpu.memory_space<vmem_shared>>)
        tpu.yield
      }) : () -> ()
    }
    %scan3A_3 = arith.constant 4 : i32
    %mul3A = arith.constant 632 : i32
    %mul3A_4 = arith.muli %arg1, %mul3A : i32
    %add3A = arith.constant 512 : i32
    %add3A_5 = arith.addi %mul3A_4, %add3A : i32
    "tpu.region"() ({
      %run_scoped3A = tpu.sem_alloc : memref<!tpu.dma_semaphore, #tpu.memory_space<semaphore_mem>>
      %dma_start3A = arith.constant 0 : i32
      %dma_start3A_60 = tpu.memref_slice %arg10[%add3A_5, %dma_start3A] : memref<10112x128xf32, #tpu.memory_space<vmem_shared>> -> memref<120x128xf32, #tpu.memory_space<vmem_shared>>
      %dma_start3A_61 = arith.constant 0 : i32
      %dma_start3A_62 = arith.constant 0 : i32
      %dma_start3A_63 = tpu.memref_slice %arg5[%dma_start3A_61, %dma_start3A_62] : memref<128x128xf32, #tpu.memory_space<hbm>> -> memref<120x128xf32, #tpu.memory_space<hbm>>
      tpu.enqueue_dma source(%dma_start3A_63 : memref<120x128xf32, #tpu.memory_space<hbm>>) target(%dma_start3A_60 : memref<120x128xf32, #tpu.memory_space<vmem_shared>>) target_semaphore(%run_scoped3A : memref<!tpu.dma_semaphore, #tpu.memory_space<semaphore_mem>>)
      %dma_wait3A = arith.constant 0 : i32
      %dma_wait3A_64 = tpu.memref_slice %arg10[%add3A_5, %dma_wait3A] : memref<10112x128xf32, #tpu.memory_space<vmem_shared>> -> memref<120x128xf32, #tpu.memory_space<vmem_shared>>
      %dma_wait3A_65 = arith.constant 0 : i32
      %dma_wait3A_66 = arith.constant 0 : i32
      %dma_wait3A_67 = tpu.memref_slice %arg5[%dma_wait3A_65, %dma_wait3A_66] : memref<128x128xf32, #tpu.memory_space<hbm>> -> memref<120x128xf32, #tpu.memory_space<hbm>>
      tpu.wait_dma2 semaphore(%run_scoped3A : memref<!tpu.dma_semaphore, #tpu.memory_space<semaphore_mem>>) src(%dma_wait3A_67 : memref<120x128xf32, #tpu.memory_space<hbm>>) dst(%dma_wait3A_64 : memref<120x128xf32, #tpu.memory_space<vmem_shared>>)
      tpu.yield
    }) : () -> ()
    %barrier3A = arith.constant 0 : index
    tpu.barrier barrier_id(%barrier3A)
    %eq3A = arith.constant 0 : i32
    %eq3A_6 = arith.cmpi eq, %arg0, %eq3A : i32
    %jit3A = arith.constant 64 : i32
    %jit3A_7 = arith.constant 16 : i32
    %select_n3A = arith.select %eq3A_6, %jit3A, %jit3A_7 : i32
    %mul3A_8 = arith.constant 0 : i32
    %mul3A_9 = arith.muli %mul3A_8, %select_n3A : i32
    "tpu.region"() ({
      %run_scoped3A = tpu.sem_alloc : memref<!tpu.dma_semaphore, #tpu.memory_space<semaphore_mem>>
      %dma_start3A = arith.constant 0 : i32
      %dma_start3A_60 = tpu.memref_slice %arg3[%arg0, %arg1, %mul3A_9, %dma_start3A] : memref<2x16x128x128xi32, #tpu.memory_space<hbm>> -> memref<1x1x64x128xi32, #tpu.memory_space<hbm>>
      %dma_start3A_61 = tpu.memref_squeeze %dma_start3A_60 : memref<1x1x64x128xi32, #tpu.memory_space<hbm>> -> memref<64x128xi32, #tpu.memory_space<hbm>>
      %dma_start3A_62 = arith.constant 0 : i32
      %dma_start3A_63 = tpu.memref_slice %arg3[%arg0, %arg1, %mul3A_9, %dma_start3A_62] : memref<2x16x128x128xi32, #tpu.memory_space<hbm>> -> memref<1x1x64x128xi32, #tpu.memory_space<hbm>>
      %dma_start3A_64 = tpu.memref_squeeze %dma_start3A_63 : memref<1x1x64x128xi32, #tpu.memory_space<hbm>> -> memref<64x128xi32, #tpu.memory_space<hbm>>
      tpu.enqueue_dma source(%dma_start3A_64 : memref<64x128xi32, #tpu.memory_space<hbm>>) target(%arg7 : memref<64x128xi32, #tpu.memory_space<vmem>>) target_semaphore(%run_scoped3A : memref<!tpu.dma_semaphore, #tpu.memory_space<semaphore_mem>>)
      %dma_wait3A = arith.constant 0 : i32
      %dma_wait3A_65 = tpu.memref_slice %arg3[%arg0, %arg1, %mul3A_9, %dma_wait3A] : memref<2x16x128x128xi32, #tpu.memory_space<hbm>> -> memref<1x1x64x128xi32, #tpu.memory_space<hbm>>
      %dma_wait3A_66 = tpu.memref_squeeze %dma_wait3A_65 : memref<1x1x64x128xi32, #tpu.memory_space<hbm>> -> memref<64x128xi32, #tpu.memory_space<hbm>>
      %dma_wait3A_67 = arith.constant 0 : i32
      %dma_wait3A_68 = tpu.memref_slice %arg3[%arg0, %arg1, %mul3A_9, %dma_wait3A_67] : memref<2x16x128x128xi32, #tpu.memory_space<hbm>> -> memref<1x1x64x128xi32, #tpu.memory_space<hbm>>
      %dma_wait3A_69 = tpu.memref_squeeze %dma_wait3A_68 : memref<1x1x64x128xi32, #tpu.memory_space<hbm>> -> memref<64x128xi32, #tpu.memory_space<hbm>>
      tpu.wait_dma2 semaphore(%run_scoped3A : memref<!tpu.dma_semaphore, #tpu.memory_space<semaphore_mem>>) src(%dma_wait3A_69 : memref<64x128xi32, #tpu.memory_space<hbm>>) dst(%arg7 : memref<64x128xi32, #tpu.memory_space<vmem>>)
      tpu.yield
    }) : () -> ()
    %mul3A_10 = arith.constant 0 : i32
    %mul3A_11 = arith.muli %mul3A_10, %select_n3A : i32
    "tpu.region"() ({
      %run_scoped3A = tpu.sem_alloc : memref<!tpu.dma_semaphore, #tpu.memory_space<semaphore_mem>>
      %dma_start3A = arith.constant 0 : i32
      %dma_start3A_60 = tpu.memref_slice %arg4[%arg0, %arg1, %mul3A_11, %dma_start3A] : memref<2x16x128x128xi32, #tpu.memory_space<hbm>> -> memref<1x1x64x128xi32, #tpu.memory_space<hbm>>
      %dma_start3A_61 = tpu.memref_squeeze %dma_start3A_60 : memref<1x1x64x128xi32, #tpu.memory_space<hbm>> -> memref<64x128xi32, #tpu.memory_space<hbm>>
      %dma_start3A_62 = arith.constant 0 : i32
      %dma_start3A_63 = tpu.memref_slice %arg4[%arg0, %arg1, %mul3A_11, %dma_start3A_62] : memref<2x16x128x128xi32, #tpu.memory_space<hbm>> -> memref<1x1x64x128xi32, #tpu.memory_space<hbm>>
      %dma_start3A_64 = tpu.memref_squeeze %dma_start3A_63 : memref<1x1x64x128xi32, #tpu.memory_space<hbm>> -> memref<64x128xi32, #tpu.memory_space<hbm>>
      tpu.enqueue_dma source(%dma_start3A_64 : memref<64x128xi32, #tpu.memory_space<hbm>>) target(%arg8 : memref<64x128xi32, #tpu.memory_space<vmem>>) target_semaphore(%run_scoped3A : memref<!tpu.dma_semaphore, #tpu.memory_space<semaphore_mem>>)
      %dma_wait3A = arith.constant 0 : i32
      %dma_wait3A_65 = tpu.memref_slice %arg4[%arg0, %arg1, %mul3A_11, %dma_wait3A] : memref<2x16x128x128xi32, #tpu.memory_space<hbm>> -> memref<1x1x64x128xi32, #tpu.memory_space<hbm>>
      %dma_wait3A_66 = tpu.memref_squeeze %dma_wait3A_65 : memref<1x1x64x128xi32, #tpu.memory_space<hbm>> -> memref<64x128xi32, #tpu.memory_space<hbm>>
      %dma_wait3A_67 = arith.constant 0 : i32
      %dma_wait3A_68 = tpu.memref_slice %arg4[%arg0, %arg1, %mul3A_11, %dma_wait3A_67] : memref<2x16x128x128xi32, #tpu.memory_space<hbm>> -> memref<1x1x64x128xi32, #tpu.memory_space<hbm>>
      %dma_wait3A_69 = tpu.memref_squeeze %dma_wait3A_68 : memref<1x1x64x128xi32, #tpu.memory_space<hbm>> -> memref<64x128xi32, #tpu.memory_space<hbm>>
      tpu.wait_dma2 semaphore(%run_scoped3A : memref<!tpu.dma_semaphore, #tpu.memory_space<semaphore_mem>>) src(%dma_wait3A_69 : memref<64x128xi32, #tpu.memory_space<hbm>>) dst(%arg8 : memref<64x128xi32, #tpu.memory_space<vmem>>)
      tpu.yield
    }) : () -> ()
    %add3A_12 = arith.constant 1 : i32
    %add3A_13 = arith.addi %select_n3A, %add3A_12 : i32
    %sub3A = arith.constant 0 : i32
    %sub3A_14 = arith.subi %add3A_13, %sub3A : i32
    %sub3A_15 = arith.constant 1 : i32
    %sub3A_16 = arith.constant 1 : i32
    %sub3A_17 = arith.subi %sub3A_15, %sub3A_16 : i32
    %add3A_18 = arith.addi %sub3A_14, %sub3A_17 : i32
    %div3A = arith.constant 1 : i32
    %div3A_19 = arith.divsi %add3A_18, %div3A : i32
    %while3A = arith.constant 1 : i32
    %while3A_20 = arith.constant 0 : i32
    %while3A_21 = arith.constant 0 : i32
    %while3A_22 = arith.subi %div3A_19, %while3A_21 : i32
    %while3A_23 = arith.addi %while3A_21, %while3A_22 : i32
    %while3A_24 = arith.constant 1 : i32
    %while3A_25 = arith.divsi %while3A_22, %while3A_24 : i32
    %while3A_26 = arith.muli %while3A_25, %while3A_24 : i32
    %while3A_27 = arith.addi %while3A_21, %while3A_26 : i32
    %while3A_28 = arith.constant 1 : i32
    scf.for %while3A_60 = %while3A_21 to %while3A_27 step %while3A_28  : i32 {
      %mul3A_61 = arith.muli %while3A_60, %while3A : i32
      %add3A_62 = arith.addi %while3A_20, %mul3A_61 : i32
      %lt3A = arith.cmpi slt, %add3A_62, %select_n3A : i32
      %convert_element_type3A = arith.extui %lt3A : i1 to i32
      %cond3A = arith.constant 0 : i32
      %cond3A_63 = arith.cmpi ne, %convert_element_type3A, %cond3A : i32
      scf.if %cond3A_63 {
        %jit3A_72 = arith.constant 2 : i32
        %eq3A_73 = arith.constant 0 : i32
        %eq3A_74 = arith.cmpi eq, %jit3A_72, %eq3A_73 : i32
        %jit3A_75 = arith.constant 1 : i32
        %select_n3A_76 = arith.select %eq3A_74, %jit3A_75, %jit3A_72 : i32
        %rem3A = arith.remsi %add3A_62, %select_n3A_76 : i32
        %ne3A = arith.constant 0 : i32
        %ne3A_77 = arith.cmpi ne, %rem3A, %ne3A : i32
        %lt3A_78 = arith.constant 0 : i32
        %lt3A_79 = arith.cmpi slt, %rem3A, %lt3A_78 : i32
        %lt3A_80 = arith.constant 0 : i32
        %lt3A_81 = arith.cmpi slt, %select_n3A_76, %lt3A_80 : i32
        %ne3A_82 = arith.xori %lt3A_79, %lt3A_81 : i1
        %and3A = arith.andi %ne3A_82, %ne3A_77 : i1
        %add3A_83 = arith.addi %rem3A, %select_n3A_76 : i32
        %select_n3A_84 = arith.select %and3A, %add3A_83, %rem3A : i32
        %mul3A_85 = arith.constant 128 : i32
        %mul3A_86 = arith.muli %select_n3A_84, %mul3A_85 : i32
        %dma_start3A = arith.constant 0 : i32
        %dma_start3A_87 = tpu.memref_slice %arg9[%mul3A_86, %dma_start3A] : memref<256x128xf32, #tpu.memory_space<vmem>> -> memref<128x128xf32, #tpu.memory_space<vmem>>
        %dma_start3A_88 = arith.constant 0 : i32
        %dma_start3A_89 = tpu.memref_slice %arg7[%add3A_62, %dma_start3A_88] : memref<64x128xi32, #tpu.memory_space<vmem>> -> memref<1x128xi32, #tpu.memory_space<vmem>>
        %dma_start3A_90 = tpu.memref_squeeze %dma_start3A_89 : memref<1x128xi32, #tpu.memory_space<vmem>> -> memref<128xi32, #tpu.memory_space<vmem>>
        %dma_start3A_91 = arith.constant 0 : i32
        %dma_start3A_92 = arith.constant 0 : i32
        %dma_start3A_93 = tpu.memref_slice %arg2[%dma_start3A_91, %dma_start3A_92] : memref<10000x128xf32, #tpu.memory_space<hbm>> -> memref<10000x128xf32, #tpu.memory_space<hbm>>
        tpu.enqueue_indirect_dma source(%dma_start3A_93 : memref<10000x128xf32, #tpu.memory_space<hbm>>) target(%dma_start3A_87 : memref<128x128xf32, #tpu.memory_space<vmem>>) offsets(%dma_start3A_90 : memref<128xi32, #tpu.memory_space<vmem>>) semaphore(%arg11 : memref<!tpu.dma_semaphore, #tpu.memory_space<semaphore_mem>>)
      } else {
      }
      %gt3A = arith.constant 0 : i32
      %gt3A_64 = arith.cmpi sgt, %add3A_62, %gt3A : i32
      %convert_element_type3A_65 = arith.extui %gt3A_64 : i1 to i32
      %cond3A_66 = arith.constant 0 : i32
      %cond3A_67 = arith.cmpi ne, %convert_element_type3A_65, %cond3A_66 : i32
      scf.if %cond3A_67 {
        %sub3A_72 = arith.constant 1 : i32
        %sub3A_73 = arith.subi %add3A_62, %sub3A_72 : i32
        %sub3A_74 = arith.constant 1 : i32
        %sub3A_75 = arith.subi %add3A_62, %sub3A_74 : i32
        %jit3A_76 = arith.constant 2 : i32
        %eq3A_77 = arith.constant 0 : i32
        %eq3A_78 = arith.cmpi eq, %jit3A_76, %eq3A_77 : i32
        %jit3A_79 = arith.constant 1 : i32
        %select_n3A_80 = arith.select %eq3A_78, %jit3A_79, %jit3A_76 : i32
        %rem3A = arith.remsi %sub3A_75, %select_n3A_80 : i32
        %ne3A = arith.constant 0 : i32
        %ne3A_81 = arith.cmpi ne, %rem3A, %ne3A : i32
        %lt3A_82 = arith.constant 0 : i32
        %lt3A_83 = arith.cmpi slt, %rem3A, %lt3A_82 : i32
        %lt3A_84 = arith.constant 0 : i32
        %lt3A_85 = arith.cmpi slt, %select_n3A_80, %lt3A_84 : i32
        %ne3A_86 = arith.xori %lt3A_83, %lt3A_85 : i1
        %and3A = arith.andi %ne3A_86, %ne3A_81 : i1
        %add3A_87 = arith.addi %rem3A, %select_n3A_80 : i32
        %select_n3A_88 = arith.select %and3A, %add3A_87, %rem3A : i32
        %mul3A_89 = arith.constant 128 : i32
        %mul3A_90 = arith.muli %select_n3A_88, %mul3A_89 : i32
        "tpu.region"() ({
          %run_scoped3A = tpu.sem_alloc : memref<!tpu.dma_semaphore, #tpu.memory_space<semaphore_mem>>
          %dma_start3A = arith.constant 0 : i32
          %dma_start3A_91 = tpu.memref_slice %arg9[%mul3A_90, %dma_start3A] : memref<256x128xf32, #tpu.memory_space<vmem>> -> memref<128x128xf32, #tpu.memory_space<vmem>>
          %dma_start3A_92 = arith.constant 0 : i32
          %dma_start3A_93 = tpu.memref_slice %arg8[%sub3A_73, %dma_start3A_92] : memref<64x128xi32, #tpu.memory_space<vmem>> -> memref<1x128xi32, #tpu.memory_space<vmem>>
          %dma_start3A_94 = tpu.memref_squeeze %dma_start3A_93 : memref<1x128xi32, #tpu.memory_space<vmem>> -> memref<128xi32, #tpu.memory_space<vmem>>
          %dma_start3A_95 = arith.constant 0 : i32
          %dma_start3A_96 = arith.constant 0 : i32
          %dma_start3A_97 = tpu.memref_slice %arg10[%dma_start3A_95, %dma_start3A_96] : memref<10112x128xf32, #tpu.memory_space<vmem_shared>> -> memref<10112x128xf32, #tpu.memory_space<vmem_shared>>
          tpu.enqueue_indirect_dma source(%dma_start3A_91 : memref<128x128xf32, #tpu.memory_space<vmem>>) target(%dma_start3A_97 : memref<10112x128xf32, #tpu.memory_space<vmem_shared>>) offsets(%dma_start3A_94 : memref<128xi32, #tpu.memory_space<vmem>>) semaphore(%run_scoped3A : memref<!tpu.dma_semaphore, #tpu.memory_space<semaphore_mem>>) {add = true}
          %dma_wait3A = arith.constant 0 : i32
          %dma_wait3A_98 = tpu.memref_slice %arg9[%mul3A_90, %dma_wait3A] : memref<256x128xf32, #tpu.memory_space<vmem>> -> memref<128x128xf32, #tpu.memory_space<vmem>>
          %dma_wait3A_99 = arith.constant 0 : i32
          %dma_wait3A_100 = tpu.memref_slice %arg8[%sub3A_73, %dma_wait3A_99] : memref<64x128xi32, #tpu.memory_space<vmem>> -> memref<1x128xi32, #tpu.memory_space<vmem>>
          %dma_wait3A_101 = tpu.memref_squeeze %dma_wait3A_100 : memref<1x128xi32, #tpu.memory_space<vmem>> -> memref<128xi32, #tpu.memory_space<vmem>>
          %dma_wait3A_102 = arith.constant 0 : i32
          %dma_wait3A_103 = arith.constant 0 : i32
          %dma_wait3A_104 = tpu.memref_slice %arg10[%dma_wait3A_102, %dma_wait3A_103] : memref<10112x128xf32, #tpu.memory_space<vmem_shared>> -> memref<10112x128xf32, #tpu.memory_space<vmem_shared>>
          tpu.wait_indirect_dma semaphore(%run_scoped3A : memref<!tpu.dma_semaphore, #tpu.memory_space<semaphore_mem>>) src(%dma_wait3A_98 : memref<128x128xf32, #tpu.memory_space<vmem>>) dst(%dma_wait3A_104 : memref<10112x128xf32, #tpu.memory_space<vmem_shared>>)
          tpu.yield
        }) : () -> ()
      } else {
      }
      %lt3A_68 = arith.cmpi slt, %add3A_62, %select_n3A : i32
      %convert_element_type3A_69 = arith.extui %lt3A_68 : i1 to i32
      %cond3A_70 = arith.constant 0 : i32
      %cond3A_71 = arith.cmpi ne, %convert_element_type3A_69, %cond3A_70 : i32
      scf.if %cond3A_71 {
        %jit3A_72 = arith.constant 2 : i32
        %eq3A_73 = arith.constant 0 : i32
        %eq3A_74 = arith.cmpi eq, %jit3A_72, %eq3A_73 : i32
        %jit3A_75 = arith.constant 1 : i32
        %select_n3A_76 = arith.select %eq3A_74, %jit3A_75, %jit3A_72 : i32
        %rem3A = arith.remsi %add3A_62, %select_n3A_76 : i32
        %ne3A = arith.constant 0 : i32
        %ne3A_77 = arith.cmpi ne, %rem3A, %ne3A : i32
        %lt3A_78 = arith.constant 0 : i32
        %lt3A_79 = arith.cmpi slt, %rem3A, %lt3A_78 : i32
        %lt3A_80 = arith.constant 0 : i32
        %lt3A_81 = arith.cmpi slt, %select_n3A_76, %lt3A_80 : i32
        %ne3A_82 = arith.xori %lt3A_79, %lt3A_81 : i1
        %and3A = arith.andi %ne3A_82, %ne3A_77 : i1
        %add3A_83 = arith.addi %rem3A, %select_n3A_76 : i32
        %select_n3A_84 = arith.select %and3A, %add3A_83, %rem3A : i32
        %mul3A_85 = arith.constant 128 : i32
        %mul3A_86 = arith.muli %select_n3A_84, %mul3A_85 : i32
        %dma_wait3A = arith.constant 0 : i32
        %dma_wait3A_87 = tpu.memref_slice %arg9[%mul3A_86, %dma_wait3A] : memref<256x128xf32, #tpu.memory_space<vmem>> -> memref<128x128xf32, #tpu.memory_space<vmem>>
        %dma_wait3A_88 = arith.constant 0 : i32
        %dma_wait3A_89 = tpu.memref_slice %arg7[%add3A_62, %dma_wait3A_88] : memref<64x128xi32, #tpu.memory_space<vmem>> -> memref<1x128xi32, #tpu.memory_space<vmem>>
        %dma_wait3A_90 = tpu.memref_squeeze %dma_wait3A_89 : memref<1x128xi32, #tpu.memory_space<vmem>> -> memref<128xi32, #tpu.memory_space<vmem>>
        %dma_wait3A_91 = arith.constant 0 : i32
        %dma_wait3A_92 = arith.constant 0 : i32
        %dma_wait3A_93 = tpu.memref_slice %arg2[%dma_wait3A_91, %dma_wait3A_92] : memref<10000x128xf32, #tpu.memory_space<hbm>> -> memref<10000x128xf32, #tpu.memory_space<hbm>>
        tpu.wait_indirect_dma semaphore(%arg11 : memref<!tpu.dma_semaphore, #tpu.memory_space<semaphore_mem>>) src(%dma_wait3A_93 : memref<10000x128xf32, #tpu.memory_space<hbm>>) dst(%dma_wait3A_87 : memref<128x128xf32, #tpu.memory_space<vmem>>)
      } else {
      }
    }
    %while3A_29 = arith.constant 1 : i32
    scf.for %while3A_60 = %while3A_27 to %while3A_23 step %while3A_29  : i32 {
      %mul3A_61 = arith.muli %while3A_60, %while3A : i32
      %add3A_62 = arith.addi %while3A_20, %mul3A_61 : i32
      %lt3A = arith.cmpi slt, %add3A_62, %select_n3A : i32
      %convert_element_type3A = arith.extui %lt3A : i1 to i32
      %cond3A = arith.constant 0 : i32
      %cond3A_63 = arith.cmpi ne, %convert_element_type3A, %cond3A : i32
      scf.if %cond3A_63 {
        %jit3A_72 = arith.constant 2 : i32
        %eq3A_73 = arith.constant 0 : i32
        %eq3A_74 = arith.cmpi eq, %jit3A_72, %eq3A_73 : i32
        %jit3A_75 = arith.constant 1 : i32
        %select_n3A_76 = arith.select %eq3A_74, %jit3A_75, %jit3A_72 : i32
        %rem3A = arith.remsi %add3A_62, %select_n3A_76 : i32
        %ne3A = arith.constant 0 : i32
        %ne3A_77 = arith.cmpi ne, %rem3A, %ne3A : i32
        %lt3A_78 = arith.constant 0 : i32
        %lt3A_79 = arith.cmpi slt, %rem3A, %lt3A_78 : i32
        %lt3A_80 = arith.constant 0 : i32
        %lt3A_81 = arith.cmpi slt, %select_n3A_76, %lt3A_80 : i32
        %ne3A_82 = arith.xori %lt3A_79, %lt3A_81 : i1
        %and3A = arith.andi %ne3A_82, %ne3A_77 : i1
        %add3A_83 = arith.addi %rem3A, %select_n3A_76 : i32
        %select_n3A_84 = arith.select %and3A, %add3A_83, %rem3A : i32
        %mul3A_85 = arith.constant 128 : i32
        %mul3A_86 = arith.muli %select_n3A_84, %mul3A_85 : i32
        %dma_start3A = arith.constant 0 : i32
        %dma_start3A_87 = tpu.memref_slice %arg9[%mul3A_86, %dma_start3A] : memref<256x128xf32, #tpu.memory_space<vmem>> -> memref<128x128xf32, #tpu.memory_space<vmem>>
        %dma_start3A_88 = arith.constant 0 : i32
        %dma_start3A_89 = tpu.memref_slice %arg7[%add3A_62, %dma_start3A_88] : memref<64x128xi32, #tpu.memory_space<vmem>> -> memref<1x128xi32, #tpu.memory_space<vmem>>
        %dma_start3A_90 = tpu.memref_squeeze %dma_start3A_89 : memref<1x128xi32, #tpu.memory_space<vmem>> -> memref<128xi32, #tpu.memory_space<vmem>>
        %dma_start3A_91 = arith.constant 0 : i32
        %dma_start3A_92 = arith.constant 0 : i32
        %dma_start3A_93 = tpu.memref_slice %arg2[%dma_start3A_91, %dma_start3A_92] : memref<10000x128xf32, #tpu.memory_space<hbm>> -> memref<10000x128xf32, #tpu.memory_space<hbm>>
        tpu.enqueue_indirect_dma source(%dma_start3A_93 : memref<10000x128xf32, #tpu.memory_space<hbm>>) target(%dma_start3A_87 : memref<128x128xf32, #tpu.memory_space<vmem>>) offsets(%dma_start3A_90 : memref<128xi32, #tpu.memory_space<vmem>>) semaphore(%arg11 : memref<!tpu.dma_semaphore, #tpu.memory_space<semaphore_mem>>)
      } else {
      }
      %gt3A = arith.constant 0 : i32
      %gt3A_64 = arith.cmpi sgt, %add3A_62, %gt3A : i32
      %convert_element_type3A_65 = arith.extui %gt3A_64 : i1 to i32
      %cond3A_66 = arith.constant 0 : i32
      %cond3A_67 = arith.cmpi ne, %convert_element_type3A_65, %cond3A_66 : i32
      scf.if %cond3A_67 {
        %sub3A_72 = arith.constant 1 : i32
        %sub3A_73 = arith.subi %add3A_62, %sub3A_72 : i32
        %sub3A_74 = arith.constant 1 : i32
        %sub3A_75 = arith.subi %add3A_62, %sub3A_74 : i32
        %jit3A_76 = arith.constant 2 : i32
        %eq3A_77 = arith.constant 0 : i32
        %eq3A_78 = arith.cmpi eq, %jit3A_76, %eq3A_77 : i32
        %jit3A_79 = arith.constant 1 : i32
        %select_n3A_80 = arith.select %eq3A_78, %jit3A_79, %jit3A_76 : i32
        %rem3A = arith.remsi %sub3A_75, %select_n3A_80 : i32
        %ne3A = arith.constant 0 : i32
        %ne3A_81 = arith.cmpi ne, %rem3A, %ne3A : i32
        %lt3A_82 = arith.constant 0 : i32
        %lt3A_83 = arith.cmpi slt, %rem3A, %lt3A_82 : i32
        %lt3A_84 = arith.constant 0 : i32
        %lt3A_85 = arith.cmpi slt, %select_n3A_80, %lt3A_84 : i32
        %ne3A_86 = arith.xori %lt3A_83, %lt3A_85 : i1
        %and3A = arith.andi %ne3A_86, %ne3A_81 : i1
        %add3A_87 = arith.addi %rem3A, %select_n3A_80 : i32
        %select_n3A_88 = arith.select %and3A, %add3A_87, %rem3A : i32
        %mul3A_89 = arith.constant 128 : i32
        %mul3A_90 = arith.muli %select_n3A_88, %mul3A_89 : i32
        "tpu.region"() ({
          %run_scoped3A = tpu.sem_alloc : memref<!tpu.dma_semaphore, #tpu.memory_space<semaphore_mem>>
          %dma_start3A = arith.constant 0 : i32
          %dma_start3A_91 = tpu.memref_slice %arg9[%mul3A_90, %dma_start3A] : memref<256x128xf32, #tpu.memory_space<vmem>> -> memref<128x128xf32, #tpu.memory_space<vmem>>
          %dma_start3A_92 = arith.constant 0 : i32
          %dma_start3A_93 = tpu.memref_slice %arg8[%sub3A_73, %dma_start3A_92] : memref<64x128xi32, #tpu.memory_space<vmem>> -> memref<1x128xi32, #tpu.memory_space<vmem>>
          %dma_start3A_94 = tpu.memref_squeeze %dma_start3A_93 : memref<1x128xi32, #tpu.memory_space<vmem>> -> memref<128xi32, #tpu.memory_space<vmem>>
          %dma_start3A_95 = arith.constant 0 : i32
          %dma_start3A_96 = arith.constant 0 : i32
          %dma_start3A_97 = tpu.memref_slice %arg10[%dma_start3A_95, %dma_start3A_96] : memref<10112x128xf32, #tpu.memory_space<vmem_shared>> -> memref<10112x128xf32, #tpu.memory_space<vmem_shared>>
          tpu.enqueue_indirect_dma source(%dma_start3A_91 : memref<128x128xf32, #tpu.memory_space<vmem>>) target(%dma_start3A_97 : memref<10112x128xf32, #tpu.memory_space<vmem_shared>>) offsets(%dma_start3A_94 : memref<128xi32, #tpu.memory_space<vmem>>) semaphore(%run_scoped3A : memref<!tpu.dma_semaphore, #tpu.memory_space<semaphore_mem>>) {add = true}
          %dma_wait3A = arith.constant 0 : i32
          %dma_wait3A_98 = tpu.memref_slice %arg9[%mul3A_90, %dma_wait3A] : memref<256x128xf32, #tpu.memory_space<vmem>> -> memref<128x128xf32, #tpu.memory_space<vmem>>
          %dma_wait3A_99 = arith.constant 0 : i32
          %dma_wait3A_100 = tpu.memref_slice %arg8[%sub3A_73, %dma_wait3A_99] : memref<64x128xi32, #tpu.memory_space<vmem>> -> memref<1x128xi32, #tpu.memory_space<vmem>>
          %dma_wait3A_101 = tpu.memref_squeeze %dma_wait3A_100 : memref<1x128xi32, #tpu.memory_space<vmem>> -> memref<128xi32, #tpu.memory_space<vmem>>
          %dma_wait3A_102 = arith.constant 0 : i32
          %dma_wait3A_103 = arith.constant 0 : i32
          %dma_wait3A_104 = tpu.memref_slice %arg10[%dma_wait3A_102, %dma_wait3A_103] : memref<10112x128xf32, #tpu.memory_space<vmem_shared>> -> memref<10112x128xf32, #tpu.memory_space<vmem_shared>>
          tpu.wait_indirect_dma semaphore(%run_scoped3A : memref<!tpu.dma_semaphore, #tpu.memory_space<semaphore_mem>>) src(%dma_wait3A_98 : memref<128x128xf32, #tpu.memory_space<vmem>>) dst(%dma_wait3A_104 : memref<10112x128xf32, #tpu.memory_space<vmem_shared>>)
          tpu.yield
        }) : () -> ()
      } else {
      }
      %lt3A_68 = arith.cmpi slt, %add3A_62, %select_n3A : i32
      %convert_element_type3A_69 = arith.extui %lt3A_68 : i1 to i32
      %cond3A_70 = arith.constant 0 : i32
      %cond3A_71 = arith.cmpi ne, %convert_element_type3A_69, %cond3A_70 : i32
      scf.if %cond3A_71 {
        %jit3A_72 = arith.constant 2 : i32
        %eq3A_73 = arith.constant 0 : i32
        %eq3A_74 = arith.cmpi eq, %jit3A_72, %eq3A_73 : i32
        %jit3A_75 = arith.constant 1 : i32
        %select_n3A_76 = arith.select %eq3A_74, %jit3A_75, %jit3A_72 : i32
        %rem3A = arith.remsi %add3A_62, %select_n3A_76 : i32
        %ne3A = arith.constant 0 : i32
        %ne3A_77 = arith.cmpi ne, %rem3A, %ne3A : i32
        %lt3A_78 = arith.constant 0 : i32
        %lt3A_79 = arith.cmpi slt, %rem3A, %lt3A_78 : i32
        %lt3A_80 = arith.constant 0 : i32
        %lt3A_81 = arith.cmpi slt, %select_n3A_76, %lt3A_80 : i32
        %ne3A_82 = arith.xori %lt3A_79, %lt3A_81 : i1
        %and3A = arith.andi %ne3A_82, %ne3A_77 : i1
        %add3A_83 = arith.addi %rem3A, %select_n3A_76 : i32
        %select_n3A_84 = arith.select %and3A, %add3A_83, %rem3A : i32
        %mul3A_85 = arith.constant 128 : i32
        %mul3A_86 = arith.muli %select_n3A_84, %mul3A_85 : i32
        %dma_wait3A = arith.constant 0 : i32
        %dma_wait3A_87 = tpu.memref_slice %arg9[%mul3A_86, %dma_wait3A] : memref<256x128xf32, #tpu.memory_space<vmem>> -> memref<128x128xf32, #tpu.memory_space<vmem>>
        %dma_wait3A_88 = arith.constant 0 : i32
        %dma_wait3A_89 = tpu.memref_slice %arg7[%add3A_62, %dma_wait3A_88] : memref<64x128xi32, #tpu.memory_space<vmem>> -> memref<1x128xi32, #tpu.memory_space<vmem>>
        %dma_wait3A_90 = tpu.memref_squeeze %dma_wait3A_89 : memref<1x128xi32, #tpu.memory_space<vmem>> -> memref<128xi32, #tpu.memory_space<vmem>>
        %dma_wait3A_91 = arith.constant 0 : i32
        %dma_wait3A_92 = arith.constant 0 : i32
        %dma_wait3A_93 = tpu.memref_slice %arg2[%dma_wait3A_91, %dma_wait3A_92] : memref<10000x128xf32, #tpu.memory_space<hbm>> -> memref<10000x128xf32, #tpu.memory_space<hbm>>
        tpu.wait_indirect_dma semaphore(%arg11 : memref<!tpu.dma_semaphore, #tpu.memory_space<semaphore_mem>>) src(%dma_wait3A_93 : memref<10000x128xf32, #tpu.memory_space<hbm>>) dst(%dma_wait3A_87 : memref<128x128xf32, #tpu.memory_space<vmem>>)
      } else {
      }
    }
    %mul3A_30 = arith.constant 1 : i32
    %mul3A_31 = arith.muli %mul3A_30, %select_n3A : i32
    "tpu.region"() ({
      %run_scoped3A = tpu.sem_alloc : memref<!tpu.dma_semaphore, #tpu.memory_space<semaphore_mem>>
      %dma_start3A = arith.constant 0 : i32
      %dma_start3A_60 = tpu.memref_slice %arg3[%arg0, %arg1, %mul3A_31, %dma_start3A] : memref<2x16x128x128xi32, #tpu.memory_space<hbm>> -> memref<1x1x64x128xi32, #tpu.memory_space<hbm>>
      %dma_start3A_61 = tpu.memref_squeeze %dma_start3A_60 : memref<1x1x64x128xi32, #tpu.memory_space<hbm>> -> memref<64x128xi32, #tpu.memory_space<hbm>>
      %dma_start3A_62 = arith.constant 0 : i32
      %dma_start3A_63 = tpu.memref_slice %arg3[%arg0, %arg1, %mul3A_31, %dma_start3A_62] : memref<2x16x128x128xi32, #tpu.memory_space<hbm>> -> memref<1x1x64x128xi32, #tpu.memory_space<hbm>>
      %dma_start3A_64 = tpu.memref_squeeze %dma_start3A_63 : memref<1x1x64x128xi32, #tpu.memory_space<hbm>> -> memref<64x128xi32, #tpu.memory_space<hbm>>
      tpu.enqueue_dma source(%dma_start3A_64 : memref<64x128xi32, #tpu.memory_space<hbm>>) target(%arg7 : memref<64x128xi32, #tpu.memory_space<vmem>>) target_semaphore(%run_scoped3A : memref<!tpu.dma_semaphore, #tpu.memory_space<semaphore_mem>>)
      %dma_wait3A = arith.constant 0 : i32
      %dma_wait3A_65 = tpu.memref_slice %arg3[%arg0, %arg1, %mul3A_31, %dma_wait3A] : memref<2x16x128x128xi32, #tpu.memory_space<hbm>> -> memref<1x1x64x128xi32, #tpu.memory_space<hbm>>
      %dma_wait3A_66 = tpu.memref_squeeze %dma_wait3A_65 : memref<1x1x64x128xi32, #tpu.memory_space<hbm>> -> memref<64x128xi32, #tpu.memory_space<hbm>>
      %dma_wait3A_67 = arith.constant 0 : i32
      %dma_wait3A_68 = tpu.memref_slice %arg3[%arg0, %arg1, %mul3A_31, %dma_wait3A_67] : memref<2x16x128x128xi32, #tpu.memory_space<hbm>> -> memref<1x1x64x128xi32, #tpu.memory_space<hbm>>
      %dma_wait3A_69 = tpu.memref_squeeze %dma_wait3A_68 : memref<1x1x64x128xi32, #tpu.memory_space<hbm>> -> memref<64x128xi32, #tpu.memory_space<hbm>>
      tpu.wait_dma2 semaphore(%run_scoped3A : memref<!tpu.dma_semaphore, #tpu.memory_space<semaphore_mem>>) src(%dma_wait3A_69 : memref<64x128xi32, #tpu.memory_space<hbm>>) dst(%arg7 : memref<64x128xi32, #tpu.memory_space<vmem>>)
      tpu.yield
    }) : () -> ()
    %mul3A_32 = arith.constant 1 : i32
    %mul3A_33 = arith.muli %mul3A_32, %select_n3A : i32
    "tpu.region"() ({
      %run_scoped3A = tpu.sem_alloc : memref<!tpu.dma_semaphore, #tpu.memory_space<semaphore_mem>>
      %dma_start3A = arith.constant 0 : i32
      %dma_start3A_60 = tpu.memref_slice %arg4[%arg0, %arg1, %mul3A_33, %dma_start3A] : memref<2x16x128x128xi32, #tpu.memory_space<hbm>> -> memref<1x1x64x128xi32, #tpu.memory_space<hbm>>
      %dma_start3A_61 = tpu.memref_squeeze %dma_start3A_60 : memref<1x1x64x128xi32, #tpu.memory_space<hbm>> -> memref<64x128xi32, #tpu.memory_space<hbm>>
      %dma_start3A_62 = arith.constant 0 : i32
      %dma_start3A_63 = tpu.memref_slice %arg4[%arg0, %arg1, %mul3A_33, %dma_start3A_62] : memref<2x16x128x128xi32, #tpu.memory_space<hbm>> -> memref<1x1x64x128xi32, #tpu.memory_space<hbm>>
      %dma_start3A_64 = tpu.memref_squeeze %dma_start3A_63 : memref<1x1x64x128xi32, #tpu.memory_space<hbm>> -> memref<64x128xi32, #tpu.memory_space<hbm>>
      tpu.enqueue_dma source(%dma_start3A_64 : memref<64x128xi32, #tpu.memory_space<hbm>>) target(%arg8 : memref<64x128xi32, #tpu.memory_space<vmem>>) target_semaphore(%run_scoped3A : memref<!tpu.dma_semaphore, #tpu.memory_space<semaphore_mem>>)
      %dma_wait3A = arith.constant 0 : i32
      %dma_wait3A_65 = tpu.memref_slice %arg4[%arg0, %arg1, %mul3A_33, %dma_wait3A] : memref<2x16x128x128xi32, #tpu.memory_space<hbm>> -> memref<1x1x64x128xi32, #tpu.memory_space<hbm>>
      %dma_wait3A_66 = tpu.memref_squeeze %dma_wait3A_65 : memref<1x1x64x128xi32, #tpu.memory_space<hbm>> -> memref<64x128xi32, #tpu.memory_space<hbm>>
      %dma_wait3A_67 = arith.constant 0 : i32
      %dma_wait3A_68 = tpu.memref_slice %arg4[%arg0, %arg1, %mul3A_33, %dma_wait3A_67] : memref<2x16x128x128xi32, #tpu.memory_space<hbm>> -> memref<1x1x64x128xi32, #tpu.memory_space<hbm>>
      %dma_wait3A_69 = tpu.memref_squeeze %dma_wait3A_68 : memref<1x1x64x128xi32, #tpu.memory_space<hbm>> -> memref<64x128xi32, #tpu.memory_space<hbm>>
      tpu.wait_dma2 semaphore(%run_scoped3A : memref<!tpu.dma_semaphore, #tpu.memory_space<semaphore_mem>>) src(%dma_wait3A_69 : memref<64x128xi32, #tpu.memory_space<hbm>>) dst(%arg8 : memref<64x128xi32, #tpu.memory_space<vmem>>)
      tpu.yield
    }) : () -> ()
    %add3A_34 = arith.constant 1 : i32
    %add3A_35 = arith.addi %select_n3A, %add3A_34 : i32
    %sub3A_36 = arith.constant 0 : i32
    %sub3A_37 = arith.subi %add3A_35, %sub3A_36 : i32
    %sub3A_38 = arith.constant 1 : i32
    %sub3A_39 = arith.constant 1 : i32
    %sub3A_40 = arith.subi %sub3A_38, %sub3A_39 : i32
    %add3A_41 = arith.addi %sub3A_37, %sub3A_40 : i32
    %div3A_42 = arith.constant 1 : i32
    %div3A_43 = arith.divsi %add3A_41, %div3A_42 : i32
    %while3A_44 = arith.constant 1 : i32
    %while3A_45 = arith.constant 0 : i32
    %while3A_46 = arith.constant 0 : i32
    %while3A_47 = arith.subi %div3A_43, %while3A_46 : i32
    %while3A_48 = arith.addi %while3A_46, %while3A_47 : i32
    %while3A_49 = arith.constant 1 : i32
    %while3A_50 = arith.divsi %while3A_47, %while3A_49 : i32
    %while3A_51 = arith.muli %while3A_50, %while3A_49 : i32
    %while3A_52 = arith.addi %while3A_46, %while3A_51 : i32
    %while3A_53 = arith.constant 1 : i32
    scf.for %while3A_60 = %while3A_46 to %while3A_52 step %while3A_53  : i32 {
      %mul3A_61 = arith.muli %while3A_60, %while3A_44 : i32
      %add3A_62 = arith.addi %while3A_45, %mul3A_61 : i32
      %lt3A = arith.cmpi slt, %add3A_62, %select_n3A : i32
      %convert_element_type3A = arith.extui %lt3A : i1 to i32
      %cond3A = arith.constant 0 : i32
      %cond3A_63 = arith.cmpi ne, %convert_element_type3A, %cond3A : i32
      scf.if %cond3A_63 {
        %jit3A_72 = arith.constant 2 : i32
        %eq3A_73 = arith.constant 0 : i32
        %eq3A_74 = arith.cmpi eq, %jit3A_72, %eq3A_73 : i32
        %jit3A_75 = arith.constant 1 : i32
        %select_n3A_76 = arith.select %eq3A_74, %jit3A_75, %jit3A_72 : i32
        %rem3A = arith.remsi %add3A_62, %select_n3A_76 : i32
        %ne3A = arith.constant 0 : i32
        %ne3A_77 = arith.cmpi ne, %rem3A, %ne3A : i32
        %lt3A_78 = arith.constant 0 : i32
        %lt3A_79 = arith.cmpi slt, %rem3A, %lt3A_78 : i32
        %lt3A_80 = arith.constant 0 : i32
        %lt3A_81 = arith.cmpi slt, %select_n3A_76, %lt3A_80 : i32
        %ne3A_82 = arith.xori %lt3A_79, %lt3A_81 : i1
        %and3A = arith.andi %ne3A_82, %ne3A_77 : i1
        %add3A_83 = arith.addi %rem3A, %select_n3A_76 : i32
        %select_n3A_84 = arith.select %and3A, %add3A_83, %rem3A : i32
        %mul3A_85 = arith.constant 128 : i32
        %mul3A_86 = arith.muli %select_n3A_84, %mul3A_85 : i32
        %dma_start3A = arith.constant 0 : i32
        %dma_start3A_87 = tpu.memref_slice %arg9[%mul3A_86, %dma_start3A] : memref<256x128xf32, #tpu.memory_space<vmem>> -> memref<128x128xf32, #tpu.memory_space<vmem>>
        %dma_start3A_88 = arith.constant 0 : i32
        %dma_start3A_89 = tpu.memref_slice %arg7[%add3A_62, %dma_start3A_88] : memref<64x128xi32, #tpu.memory_space<vmem>> -> memref<1x128xi32, #tpu.memory_space<vmem>>
        %dma_start3A_90 = tpu.memref_squeeze %dma_start3A_89 : memref<1x128xi32, #tpu.memory_space<vmem>> -> memref<128xi32, #tpu.memory_space<vmem>>
        %dma_start3A_91 = arith.constant 0 : i32
        %dma_start3A_92 = arith.constant 0 : i32
        %dma_start3A_93 = tpu.memref_slice %arg2[%dma_start3A_91, %dma_start3A_92] : memref<10000x128xf32, #tpu.memory_space<hbm>> -> memref<10000x128xf32, #tpu.memory_space<hbm>>
        tpu.enqueue_indirect_dma source(%dma_start3A_93 : memref<10000x128xf32, #tpu.memory_space<hbm>>) target(%dma_start3A_87 : memref<128x128xf32, #tpu.memory_space<vmem>>) offsets(%dma_start3A_90 : memref<128xi32, #tpu.memory_space<vmem>>) semaphore(%arg11 : memref<!tpu.dma_semaphore, #tpu.memory_space<semaphore_mem>>)
      } else {
      }
      %gt3A = arith.constant 0 : i32
      %gt3A_64 = arith.cmpi sgt, %add3A_62, %gt3A : i32
      %convert_element_type3A_65 = arith.extui %gt3A_64 : i1 to i32
      %cond3A_66 = arith.constant 0 : i32
      %cond3A_67 = arith.cmpi ne, %convert_element_type3A_65, %cond3A_66 : i32
      scf.if %cond3A_67 {
        %sub3A_72 = arith.constant 1 : i32
        %sub3A_73 = arith.subi %add3A_62, %sub3A_72 : i32
        %sub3A_74 = arith.constant 1 : i32
        %sub3A_75 = arith.subi %add3A_62, %sub3A_74 : i32
        %jit3A_76 = arith.constant 2 : i32
        %eq3A_77 = arith.constant 0 : i32
        %eq3A_78 = arith.cmpi eq, %jit3A_76, %eq3A_77 : i32
        %jit3A_79 = arith.constant 1 : i32
        %select_n3A_80 = arith.select %eq3A_78, %jit3A_79, %jit3A_76 : i32
        %rem3A = arith.remsi %sub3A_75, %select_n3A_80 : i32
        %ne3A = arith.constant 0 : i32
        %ne3A_81 = arith.cmpi ne, %rem3A, %ne3A : i32
        %lt3A_82 = arith.constant 0 : i32
        %lt3A_83 = arith.cmpi slt, %rem3A, %lt3A_82 : i32
        %lt3A_84 = arith.constant 0 : i32
        %lt3A_85 = arith.cmpi slt, %select_n3A_80, %lt3A_84 : i32
        %ne3A_86 = arith.xori %lt3A_83, %lt3A_85 : i1
        %and3A = arith.andi %ne3A_86, %ne3A_81 : i1
        %add3A_87 = arith.addi %rem3A, %select_n3A_80 : i32
        %select_n3A_88 = arith.select %and3A, %add3A_87, %rem3A : i32
        %mul3A_89 = arith.constant 128 : i32
        %mul3A_90 = arith.muli %select_n3A_88, %mul3A_89 : i32
        "tpu.region"() ({
          %run_scoped3A = tpu.sem_alloc : memref<!tpu.dma_semaphore, #tpu.memory_space<semaphore_mem>>
          %dma_start3A = arith.constant 0 : i32
          %dma_start3A_91 = tpu.memref_slice %arg9[%mul3A_90, %dma_start3A] : memref<256x128xf32, #tpu.memory_space<vmem>> -> memref<128x128xf32, #tpu.memory_space<vmem>>
          %dma_start3A_92 = arith.constant 0 : i32
          %dma_start3A_93 = tpu.memref_slice %arg8[%sub3A_73, %dma_start3A_92] : memref<64x128xi32, #tpu.memory_space<vmem>> -> memref<1x128xi32, #tpu.memory_space<vmem>>
          %dma_start3A_94 = tpu.memref_squeeze %dma_start3A_93 : memref<1x128xi32, #tpu.memory_space<vmem>> -> memref<128xi32, #tpu.memory_space<vmem>>
          %dma_start3A_95 = arith.constant 0 : i32
          %dma_start3A_96 = arith.constant 0 : i32
          %dma_start3A_97 = tpu.memref_slice %arg10[%dma_start3A_95, %dma_start3A_96] : memref<10112x128xf32, #tpu.memory_space<vmem_shared>> -> memref<10112x128xf32, #tpu.memory_space<vmem_shared>>
          tpu.enqueue_indirect_dma source(%dma_start3A_91 : memref<128x128xf32, #tpu.memory_space<vmem>>) target(%dma_start3A_97 : memref<10112x128xf32, #tpu.memory_space<vmem_shared>>) offsets(%dma_start3A_94 : memref<128xi32, #tpu.memory_space<vmem>>) semaphore(%run_scoped3A : memref<!tpu.dma_semaphore, #tpu.memory_space<semaphore_mem>>) {add = true}
          %dma_wait3A = arith.constant 0 : i32
          %dma_wait3A_98 = tpu.memref_slice %arg9[%mul3A_90, %dma_wait3A] : memref<256x128xf32, #tpu.memory_space<vmem>> -> memref<128x128xf32, #tpu.memory_space<vmem>>
          %dma_wait3A_99 = arith.constant 0 : i32
          %dma_wait3A_100 = tpu.memref_slice %arg8[%sub3A_73, %dma_wait3A_99] : memref<64x128xi32, #tpu.memory_space<vmem>> -> memref<1x128xi32, #tpu.memory_space<vmem>>
          %dma_wait3A_101 = tpu.memref_squeeze %dma_wait3A_100 : memref<1x128xi32, #tpu.memory_space<vmem>> -> memref<128xi32, #tpu.memory_space<vmem>>
          %dma_wait3A_102 = arith.constant 0 : i32
          %dma_wait3A_103 = arith.constant 0 : i32
          %dma_wait3A_104 = tpu.memref_slice %arg10[%dma_wait3A_102, %dma_wait3A_103] : memref<10112x128xf32, #tpu.memory_space<vmem_shared>> -> memref<10112x128xf32, #tpu.memory_space<vmem_shared>>
          tpu.wait_indirect_dma semaphore(%run_scoped3A : memref<!tpu.dma_semaphore, #tpu.memory_space<semaphore_mem>>) src(%dma_wait3A_98 : memref<128x128xf32, #tpu.memory_space<vmem>>) dst(%dma_wait3A_104 : memref<10112x128xf32, #tpu.memory_space<vmem_shared>>)
          tpu.yield
        }) : () -> ()
      } else {
      }
      %lt3A_68 = arith.cmpi slt, %add3A_62, %select_n3A : i32
      %convert_element_type3A_69 = arith.extui %lt3A_68 : i1 to i32
      %cond3A_70 = arith.constant 0 : i32
      %cond3A_71 = arith.cmpi ne, %convert_element_type3A_69, %cond3A_70 : i32
      scf.if %cond3A_71 {
        %jit3A_72 = arith.constant 2 : i32
        %eq3A_73 = arith.constant 0 : i32
        %eq3A_74 = arith.cmpi eq, %jit3A_72, %eq3A_73 : i32
        %jit3A_75 = arith.constant 1 : i32
        %select_n3A_76 = arith.select %eq3A_74, %jit3A_75, %jit3A_72 : i32
        %rem3A = arith.remsi %add3A_62, %select_n3A_76 : i32
        %ne3A = arith.constant 0 : i32
        %ne3A_77 = arith.cmpi ne, %rem3A, %ne3A : i32
        %lt3A_78 = arith.constant 0 : i32
        %lt3A_79 = arith.cmpi slt, %rem3A, %lt3A_78 : i32
        %lt3A_80 = arith.constant 0 : i32
        %lt3A_81 = arith.cmpi slt, %select_n3A_76, %lt3A_80 : i32
        %ne3A_82 = arith.xori %lt3A_79, %lt3A_81 : i1
        %and3A = arith.andi %ne3A_82, %ne3A_77 : i1
        %add3A_83 = arith.addi %rem3A, %select_n3A_76 : i32
        %select_n3A_84 = arith.select %and3A, %add3A_83, %rem3A : i32
        %mul3A_85 = arith.constant 128 : i32
        %mul3A_86 = arith.muli %select_n3A_84, %mul3A_85 : i32
        %dma_wait3A = arith.constant 0 : i32
        %dma_wait3A_87 = tpu.memref_slice %arg9[%mul3A_86, %dma_wait3A] : memref<256x128xf32, #tpu.memory_space<vmem>> -> memref<128x128xf32, #tpu.memory_space<vmem>>
        %dma_wait3A_88 = arith.constant 0 : i32
        %dma_wait3A_89 = tpu.memref_slice %arg7[%add3A_62, %dma_wait3A_88] : memref<64x128xi32, #tpu.memory_space<vmem>> -> memref<1x128xi32, #tpu.memory_space<vmem>>
        %dma_wait3A_90 = tpu.memref_squeeze %dma_wait3A_89 : memref<1x128xi32, #tpu.memory_space<vmem>> -> memref<128xi32, #tpu.memory_space<vmem>>
        %dma_wait3A_91 = arith.constant 0 : i32
        %dma_wait3A_92 = arith.constant 0 : i32
        %dma_wait3A_93 = tpu.memref_slice %arg2[%dma_wait3A_91, %dma_wait3A_92] : memref<10000x128xf32, #tpu.memory_space<hbm>> -> memref<10000x128xf32, #tpu.memory_space<hbm>>
        tpu.wait_indirect_dma semaphore(%arg11 : memref<!tpu.dma_semaphore, #tpu.memory_space<semaphore_mem>>) src(%dma_wait3A_93 : memref<10000x128xf32, #tpu.memory_space<hbm>>) dst(%dma_wait3A_87 : memref<128x128xf32, #tpu.memory_space<vmem>>)
      } else {
      }
    }
    %while3A_54 = arith.constant 1 : i32
    scf.for %while3A_60 = %while3A_52 to %while3A_48 step %while3A_54  : i32 {
      %mul3A_61 = arith.muli %while3A_60, %while3A_44 : i32
      %add3A_62 = arith.addi %while3A_45, %mul3A_61 : i32
      %lt3A = arith.cmpi slt, %add3A_62, %select_n3A : i32
      %convert_element_type3A = arith.extui %lt3A : i1 to i32
      %cond3A = arith.constant 0 : i32
      %cond3A_63 = arith.cmpi ne, %convert_element_type3A, %cond3A : i32
      scf.if %cond3A_63 {
        %jit3A_72 = arith.constant 2 : i32
        %eq3A_73 = arith.constant 0 : i32
        %eq3A_74 = arith.cmpi eq, %jit3A_72, %eq3A_73 : i32
        %jit3A_75 = arith.constant 1 : i32
        %select_n3A_76 = arith.select %eq3A_74, %jit3A_75, %jit3A_72 : i32
        %rem3A = arith.remsi %add3A_62, %select_n3A_76 : i32
        %ne3A = arith.constant 0 : i32
        %ne3A_77 = arith.cmpi ne, %rem3A, %ne3A : i32
        %lt3A_78 = arith.constant 0 : i32
        %lt3A_79 = arith.cmpi slt, %rem3A, %lt3A_78 : i32
        %lt3A_80 = arith.constant 0 : i32
        %lt3A_81 = arith.cmpi slt, %select_n3A_76, %lt3A_80 : i32
        %ne3A_82 = arith.xori %lt3A_79, %lt3A_81 : i1
        %and3A = arith.andi %ne3A_82, %ne3A_77 : i1
        %add3A_83 = arith.addi %rem3A, %select_n3A_76 : i32
        %select_n3A_84 = arith.select %and3A, %add3A_83, %rem3A : i32
        %mul3A_85 = arith.constant 128 : i32
        %mul3A_86 = arith.muli %select_n3A_84, %mul3A_85 : i32
        %dma_start3A = arith.constant 0 : i32
        %dma_start3A_87 = tpu.memref_slice %arg9[%mul3A_86, %dma_start3A] : memref<256x128xf32, #tpu.memory_space<vmem>> -> memref<128x128xf32, #tpu.memory_space<vmem>>
        %dma_start3A_88 = arith.constant 0 : i32
        %dma_start3A_89 = tpu.memref_slice %arg7[%add3A_62, %dma_start3A_88] : memref<64x128xi32, #tpu.memory_space<vmem>> -> memref<1x128xi32, #tpu.memory_space<vmem>>
        %dma_start3A_90 = tpu.memref_squeeze %dma_start3A_89 : memref<1x128xi32, #tpu.memory_space<vmem>> -> memref<128xi32, #tpu.memory_space<vmem>>
        %dma_start3A_91 = arith.constant 0 : i32
        %dma_start3A_92 = arith.constant 0 : i32
        %dma_start3A_93 = tpu.memref_slice %arg2[%dma_start3A_91, %dma_start3A_92] : memref<10000x128xf32, #tpu.memory_space<hbm>> -> memref<10000x128xf32, #tpu.memory_space<hbm>>
        tpu.enqueue_indirect_dma source(%dma_start3A_93 : memref<10000x128xf32, #tpu.memory_space<hbm>>) target(%dma_start3A_87 : memref<128x128xf32, #tpu.memory_space<vmem>>) offsets(%dma_start3A_90 : memref<128xi32, #tpu.memory_space<vmem>>) semaphore(%arg11 : memref<!tpu.dma_semaphore, #tpu.memory_space<semaphore_mem>>)
      } else {
      }
      %gt3A = arith.constant 0 : i32
      %gt3A_64 = arith.cmpi sgt, %add3A_62, %gt3A : i32
      %convert_element_type3A_65 = arith.extui %gt3A_64 : i1 to i32
      %cond3A_66 = arith.constant 0 : i32
      %cond3A_67 = arith.cmpi ne, %convert_element_type3A_65, %cond3A_66 : i32
      scf.if %cond3A_67 {
        %sub3A_72 = arith.constant 1 : i32
        %sub3A_73 = arith.subi %add3A_62, %sub3A_72 : i32
        %sub3A_74 = arith.constant 1 : i32
        %sub3A_75 = arith.subi %add3A_62, %sub3A_74 : i32
        %jit3A_76 = arith.constant 2 : i32
        %eq3A_77 = arith.constant 0 : i32
        %eq3A_78 = arith.cmpi eq, %jit3A_76, %eq3A_77 : i32
        %jit3A_79 = arith.constant 1 : i32
        %select_n3A_80 = arith.select %eq3A_78, %jit3A_79, %jit3A_76 : i32
        %rem3A = arith.remsi %sub3A_75, %select_n3A_80 : i32
        %ne3A = arith.constant 0 : i32
        %ne3A_81 = arith.cmpi ne, %rem3A, %ne3A : i32
        %lt3A_82 = arith.constant 0 : i32
        %lt3A_83 = arith.cmpi slt, %rem3A, %lt3A_82 : i32
        %lt3A_84 = arith.constant 0 : i32
        %lt3A_85 = arith.cmpi slt, %select_n3A_80, %lt3A_84 : i32
        %ne3A_86 = arith.xori %lt3A_83, %lt3A_85 : i1
        %and3A = arith.andi %ne3A_86, %ne3A_81 : i1
        %add3A_87 = arith.addi %rem3A, %select_n3A_80 : i32
        %select_n3A_88 = arith.select %and3A, %add3A_87, %rem3A : i32
        %mul3A_89 = arith.constant 128 : i32
        %mul3A_90 = arith.muli %select_n3A_88, %mul3A_89 : i32
        "tpu.region"() ({
          %run_scoped3A = tpu.sem_alloc : memref<!tpu.dma_semaphore, #tpu.memory_space<semaphore_mem>>
          %dma_start3A = arith.constant 0 : i32
          %dma_start3A_91 = tpu.memref_slice %arg9[%mul3A_90, %dma_start3A] : memref<256x128xf32, #tpu.memory_space<vmem>> -> memref<128x128xf32, #tpu.memory_space<vmem>>
          %dma_start3A_92 = arith.constant 0 : i32
          %dma_start3A_93 = tpu.memref_slice %arg8[%sub3A_73, %dma_start3A_92] : memref<64x128xi32, #tpu.memory_space<vmem>> -> memref<1x128xi32, #tpu.memory_space<vmem>>
          %dma_start3A_94 = tpu.memref_squeeze %dma_start3A_93 : memref<1x128xi32, #tpu.memory_space<vmem>> -> memref<128xi32, #tpu.memory_space<vmem>>
          %dma_start3A_95 = arith.constant 0 : i32
          %dma_start3A_96 = arith.constant 0 : i32
          %dma_start3A_97 = tpu.memref_slice %arg10[%dma_start3A_95, %dma_start3A_96] : memref<10112x128xf32, #tpu.memory_space<vmem_shared>> -> memref<10112x128xf32, #tpu.memory_space<vmem_shared>>
          tpu.enqueue_indirect_dma source(%dma_start3A_91 : memref<128x128xf32, #tpu.memory_space<vmem>>) target(%dma_start3A_97 : memref<10112x128xf32, #tpu.memory_space<vmem_shared>>) offsets(%dma_start3A_94 : memref<128xi32, #tpu.memory_space<vmem>>) semaphore(%run_scoped3A : memref<!tpu.dma_semaphore, #tpu.memory_space<semaphore_mem>>) {add = true}
          %dma_wait3A = arith.constant 0 : i32
          %dma_wait3A_98 = tpu.memref_slice %arg9[%mul3A_90, %dma_wait3A] : memref<256x128xf32, #tpu.memory_space<vmem>> -> memref<128x128xf32, #tpu.memory_space<vmem>>
          %dma_wait3A_99 = arith.constant 0 : i32
          %dma_wait3A_100 = tpu.memref_slice %arg8[%sub3A_73, %dma_wait3A_99] : memref<64x128xi32, #tpu.memory_space<vmem>> -> memref<1x128xi32, #tpu.memory_space<vmem>>
          %dma_wait3A_101 = tpu.memref_squeeze %dma_wait3A_100 : memref<1x128xi32, #tpu.memory_space<vmem>> -> memref<128xi32, #tpu.memory_space<vmem>>
          %dma_wait3A_102 = arith.constant 0 : i32
          %dma_wait3A_103 = arith.constant 0 : i32
          %dma_wait3A_104 = tpu.memref_slice %arg10[%dma_wait3A_102, %dma_wait3A_103] : memref<10112x128xf32, #tpu.memory_space<vmem_shared>> -> memref<10112x128xf32, #tpu.memory_space<vmem_shared>>
          tpu.wait_indirect_dma semaphore(%run_scoped3A : memref<!tpu.dma_semaphore, #tpu.memory_space<semaphore_mem>>) src(%dma_wait3A_98 : memref<128x128xf32, #tpu.memory_space<vmem>>) dst(%dma_wait3A_104 : memref<10112x128xf32, #tpu.memory_space<vmem_shared>>)
          tpu.yield
        }) : () -> ()
      } else {
      }
      %lt3A_68 = arith.cmpi slt, %add3A_62, %select_n3A : i32
      %convert_element_type3A_69 = arith.extui %lt3A_68 : i1 to i32
      %cond3A_70 = arith.constant 0 : i32
      %cond3A_71 = arith.cmpi ne, %convert_element_type3A_69, %cond3A_70 : i32
      scf.if %cond3A_71 {
        %jit3A_72 = arith.constant 2 : i32
        %eq3A_73 = arith.constant 0 : i32
        %eq3A_74 = arith.cmpi eq, %jit3A_72, %eq3A_73 : i32
        %jit3A_75 = arith.constant 1 : i32
        %select_n3A_76 = arith.select %eq3A_74, %jit3A_75, %jit3A_72 : i32
        %rem3A = arith.remsi %add3A_62, %select_n3A_76 : i32
        %ne3A = arith.constant 0 : i32
        %ne3A_77 = arith.cmpi ne, %rem3A, %ne3A : i32
        %lt3A_78 = arith.constant 0 : i32
        %lt3A_79 = arith.cmpi slt, %rem3A, %lt3A_78 : i32
        %lt3A_80 = arith.constant 0 : i32
        %lt3A_81 = arith.cmpi slt, %select_n3A_76, %lt3A_80 : i32
        %ne3A_82 = arith.xori %lt3A_79, %lt3A_81 : i1
        %and3A = arith.andi %ne3A_82, %ne3A_77 : i1
        %add3A_83 = arith.addi %rem3A, %select_n3A_76 : i32
        %select_n3A_84 = arith.select %and3A, %add3A_83, %rem3A : i32
        %mul3A_85 = arith.constant 128 : i32
        %mul3A_86 = arith.muli %select_n3A_84, %mul3A_85 : i32
        %dma_wait3A = arith.constant 0 : i32
        %dma_wait3A_87 = tpu.memref_slice %arg9[%mul3A_86, %dma_wait3A] : memref<256x128xf32, #tpu.memory_space<vmem>> -> memref<128x128xf32, #tpu.memory_space<vmem>>
        %dma_wait3A_88 = arith.constant 0 : i32
        %dma_wait3A_89 = tpu.memref_slice %arg7[%add3A_62, %dma_wait3A_88] : memref<64x128xi32, #tpu.memory_space<vmem>> -> memref<1x128xi32, #tpu.memory_space<vmem>>
        %dma_wait3A_90 = tpu.memref_squeeze %dma_wait3A_89 : memref<1x128xi32, #tpu.memory_space<vmem>> -> memref<128xi32, #tpu.memory_space<vmem>>
        %dma_wait3A_91 = arith.constant 0 : i32
        %dma_wait3A_92 = arith.constant 0 : i32
        %dma_wait3A_93 = tpu.memref_slice %arg2[%dma_wait3A_91, %dma_wait3A_92] : memref<10000x128xf32, #tpu.memory_space<hbm>> -> memref<10000x128xf32, #tpu.memory_space<hbm>>
        tpu.wait_indirect_dma semaphore(%arg11 : memref<!tpu.dma_semaphore, #tpu.memory_space<semaphore_mem>>) src(%dma_wait3A_93 : memref<10000x128xf32, #tpu.memory_space<hbm>>) dst(%dma_wait3A_87 : memref<128x128xf32, #tpu.memory_space<vmem>>)
      } else {
      }
    }
    %barrier3A_55 = arith.constant 0 : index
    tpu.barrier barrier_id(%barrier3A_55)
    %mul3A_56 = arith.constant 632 : i32
    %mul3A_57 = arith.muli %arg1, %mul3A_56 : i32
    %mul3A_58 = arith.constant 632 : i32
    %mul3A_59 = arith.muli %arg1, %mul3A_58 : i32
    "tpu.region"() ({
      %run_scoped3A = tpu.sem_alloc : memref<!tpu.dma_semaphore, #tpu.memory_space<semaphore_mem>>
      %dma_start3A = arith.constant 0 : i32
      %dma_start3A_60 = tpu.memref_slice %arg6[%arg0, %mul3A_59, %dma_start3A] : memref<2x10112x128xf32, #tpu.memory_space<hbm>> -> memref<1x632x128xf32, #tpu.memory_space<hbm>>
      %dma_start3A_61 = tpu.memref_squeeze %dma_start3A_60 : memref<1x632x128xf32, #tpu.memory_space<hbm>> -> memref<632x128xf32, #tpu.memory_space<hbm>>
      %dma_start3A_62 = arith.constant 0 : i32
      %dma_start3A_63 = tpu.memref_slice %arg10[%mul3A_57, %dma_start3A_62] : memref<10112x128xf32, #tpu.memory_space<vmem_shared>> -> memref<632x128xf32, #tpu.memory_space<vmem_shared>>
      tpu.enqueue_dma source(%dma_start3A_63 : memref<632x128xf32, #tpu.memory_space<vmem_shared>>) target(%dma_start3A_61 : memref<632x128xf32, #tpu.memory_space<hbm>>) target_semaphore(%run_scoped3A : memref<!tpu.dma_semaphore, #tpu.memory_space<semaphore_mem>>)
      %dma_wait3A = arith.constant 0 : i32
      %dma_wait3A_64 = tpu.memref_slice %arg6[%arg0, %mul3A_59, %dma_wait3A] : memref<2x10112x128xf32, #tpu.memory_space<hbm>> -> memref<1x632x128xf32, #tpu.memory_space<hbm>>
      %dma_wait3A_65 = tpu.memref_squeeze %dma_wait3A_64 : memref<1x632x128xf32, #tpu.memory_space<hbm>> -> memref<632x128xf32, #tpu.memory_space<hbm>>
      %dma_wait3A_66 = arith.constant 0 : i32
      %dma_wait3A_67 = tpu.memref_slice %arg10[%mul3A_57, %dma_wait3A_66] : memref<10112x128xf32, #tpu.memory_space<vmem_shared>> -> memref<632x128xf32, #tpu.memory_space<vmem_shared>>
      tpu.wait_dma2 semaphore(%run_scoped3A : memref<!tpu.dma_semaphore, #tpu.memory_space<semaphore_mem>>) src(%dma_wait3A_67 : memref<632x128xf32, #tpu.memory_space<vmem_shared>>) dst(%dma_wait3A_65 : memref<632x128xf32, #tpu.memory_space<hbm>>)
      tpu.yield
    }) : () -> ()
    return
  }
}

module attributes {stable_mosaic.version = 14 : i64} {
  func.func @_tc_pre_body(%arg0: memref<10000x128xf32, #tpu.memory_space<vmem>>, %arg1: memref<128x128xf32, #tpu.memory_space<vmem>>, %arg2: memref<10112x32xi32, #tpu.memory_space<vmem>>, %arg3: memref<10000x128xf32, #tpu.memory_space<vmem>>, %arg4: memref<10112x1xf32, #tpu.memory_space<vmem>>) attributes {dimension_semantics = [], scalar_prefetch = 0 : i64, scratch_operands = 0 : i64, tpu.core_type = #tpu.core_type<tc>} {
    %get3A = arith.constant 0 : index
    %get3A_0 = arith.constant 0 : index
    %get3A_1 = vector.load %arg2[%get3A, %get3A_0] : memref<10112x32xi32, #tpu.memory_space<vmem>>, vector<10112x32xi32>
    %convert_element_type3A = arith.sitofp %get3A_1 : vector<10112x32xi32> to vector<10112x32xf32>
    %reduce_sum3A = arith.constant dense<0.000000e+00> : vector<10112xf32>
    %reduce_sum3A_2 = vector.multi_reduction <add>, %convert_element_type3A, %reduce_sum3A [1] : vector<10112x32xf32> to vector<10112xf32>
    %broadcast_in_dim3A = vector.shape_cast %reduce_sum3A_2 : vector<10112xf32> to vector<10112x1xf32>
    %add3A = arith.constant 1.000000e+00 : f32
    %add3A_3 = vector.broadcast %add3A : f32 to vector<10112x1xf32>
    %add3A_4 = arith.addf %broadcast_in_dim3A, %add3A_3 : vector<10112x1xf32>
    %rsqrt3A = math.rsqrt %add3A_4 : vector<10112x1xf32>
    %swap3A = arith.constant 0 : index
    %swap3A_5 = arith.constant 0 : index
    %swap3A_6 = vector.load %arg4[%swap3A, %swap3A_5] : memref<10112x1xf32, #tpu.memory_space<vmem>>, vector<10112x1xf32>
    tpu.vector_store %arg4[%swap3A, %swap3A_5], %rsqrt3A {strides = array<i32>} : memref<10112x1xf32, #tpu.memory_space<vmem>>, vector<10112x1xf32>,
    %get3A_7 = arith.constant 0 : index
    %get3A_8 = arith.constant 0 : index
    %get3A_9 = vector.load %arg0[%get3A_7, %get3A_8] : memref<10000x128xf32, #tpu.memory_space<vmem>>, vector<10000x128xf32>
    %get3A_10 = arith.constant 0 : index
    %get3A_11 = arith.constant 0 : index
    %get3A_12 = vector.load %arg1[%get3A_10, %get3A_11] : memref<128x128xf32, #tpu.memory_space<vmem>>, vector<128x128xf32>
    %dot_general3A = arith.constant dense<0.000000e+00> : vector<10000x128xf32>
    %dot_general3A_13 = tpu.matmul %get3A_9, %get3A_12, %dot_general3A {dimension_numbers = #tpu.dot_dimension_numbers<[1], [0], [0], [1], [0, 0, 1, 1], [], []>, transpose_lhs_hint = false} : vector<10000x128xf32>, vector<128x128xf32>, vector<10000x128xf32> -> vector<10000x128xf32>
    %slice3A = vector.extract_strided_slice %rsqrt3A {offsets = [0, 0], sizes = [10000, 1], strides = [1, 1]} : vector<10112x1xf32> to vector<10000x1xf32>
    %mul3A = vector.broadcast %slice3A : vector<10000x1xf32> to vector<10000x128xf32>
    %mul3A_14 = arith.mulf %dot_general3A_13, %mul3A : vector<10000x128xf32>
    %swap3A_15 = arith.constant 0 : index
    %swap3A_16 = arith.constant 0 : index
    %swap3A_17 = vector.load %arg3[%swap3A_15, %swap3A_16] : memref<10000x128xf32, #tpu.memory_space<vmem>>, vector<10000x128xf32>
    tpu.vector_store %arg3[%swap3A_15, %swap3A_16], %mul3A_14 {strides = array<i32>} : memref<10000x128xf32, #tpu.memory_space<vmem>>, vector<10000x128xf32>,
    return
  }
}

module attributes {stable_mosaic.version = 14 : i64} {
  func.func @_tc_post_body(%arg0: memref<2x10112x128xf32, #tpu.memory_space<vmem>>, %arg1: memref<10000x128xf32, #tpu.memory_space<vmem>>, %arg2: memref<10112x1xf32, #tpu.memory_space<vmem>>, %arg3: memref<128xf32, #tpu.memory_space<vmem>>, %arg4: memref<128x128xf32, #tpu.memory_space<vmem>>, %arg5: memref<128xf32, #tpu.memory_space<vmem>>, %arg6: memref<10000x128xf32, #tpu.memory_space<vmem>>) attributes {dimension_semantics = [], scalar_prefetch = 0 : i64, scratch_operands = 0 : i64, tpu.core_type = #tpu.core_type<tc>} {
    %get3A = arith.constant 0 : index
    %get3A_0 = arith.constant 0 : index
    %get3A_1 = arith.constant 0 : index
    %get3A_2 = vector.load %arg0[%get3A, %get3A_0, %get3A_1] : memref<2x10112x128xf32, #tpu.memory_space<vmem>>, vector<1x10000x128xf32>
    %get3A_3 = vector.shape_cast %get3A_2 : vector<1x10000x128xf32> to vector<10000x128xf32>
    %get3A_4 = arith.constant 1 : index
    %get3A_5 = arith.constant 0 : index
    %get3A_6 = arith.constant 0 : index
    %get3A_7 = vector.load %arg0[%get3A_4, %get3A_5, %get3A_6] : memref<2x10112x128xf32, #tpu.memory_space<vmem>>, vector<1x10000x128xf32>
    %get3A_8 = vector.shape_cast %get3A_7 : vector<1x10000x128xf32> to vector<10000x128xf32>
    %add3A = arith.addf %get3A_3, %get3A_8 : vector<10000x128xf32>
    %get3A_9 = arith.constant 0 : index
    %get3A_10 = arith.constant 0 : index
    %get3A_11 = vector.load %arg1[%get3A_9, %get3A_10] : memref<10000x128xf32, #tpu.memory_space<vmem>>, vector<10000x128xf32>
    %add3A_12 = arith.addf %add3A, %get3A_11 : vector<10000x128xf32>
    %get3A_13 = arith.constant 0 : index
    %get3A_14 = arith.constant 0 : index
    %get3A_15 = vector.load %arg2[%get3A_13, %get3A_14] : memref<10112x1xf32, #tpu.memory_space<vmem>>, vector<10000x1xf32>
    %mul3A = vector.broadcast %get3A_15 : vector<10000x1xf32> to vector<10000x128xf32>
    %mul3A_16 = arith.mulf %add3A_12, %mul3A : vector<10000x128xf32>
    %get3A_17 = arith.constant 0 : index
    %get3A_18 = vector.load %arg3[%get3A_17] : memref<128xf32, #tpu.memory_space<vmem>>, vector<128xf32>
    %broadcast_in_dim3A = vector.shape_cast %get3A_18 : vector<128xf32> to vector<1x128xf32>
    %add3A_19 = vector.broadcast %broadcast_in_dim3A : vector<1x128xf32> to vector<10000x128xf32>
    %add3A_20 = arith.addf %mul3A_16, %add3A_19 : vector<10000x128xf32>
    %max3A = arith.constant 0.000000e+00 : f32
    %max3A_21 = vector.broadcast %max3A : f32 to vector<10000x128xf32>
    %max3A_22 = arith.maximumf %add3A_20, %max3A_21 : vector<10000x128xf32>
    %get3A_23 = arith.constant 0 : index
    %get3A_24 = arith.constant 0 : index
    %get3A_25 = vector.load %arg4[%get3A_23, %get3A_24] : memref<128x128xf32, #tpu.memory_space<vmem>>, vector<128x128xf32>
    %dot_general3A = arith.constant dense<0.000000e+00> : vector<10000x128xf32>
    %dot_general3A_26 = tpu.matmul %max3A_22, %get3A_25, %dot_general3A {dimension_numbers = #tpu.dot_dimension_numbers<[1], [0], [0], [1], [0, 0, 1, 1], [], []>, transpose_lhs_hint = false} : vector<10000x128xf32>, vector<128x128xf32>, vector<10000x128xf32> -> vector<10000x128xf32>
    %get3A_27 = arith.constant 0 : index
    %get3A_28 = vector.load %arg5[%get3A_27] : memref<128xf32, #tpu.memory_space<vmem>>, vector<128xf32>
    %broadcast_in_dim3A_29 = vector.shape_cast %get3A_28 : vector<128xf32> to vector<1x128xf32>
    %add3A_30 = vector.broadcast %broadcast_in_dim3A_29 : vector<1x128xf32> to vector<10000x128xf32>
    %add3A_31 = arith.addf %dot_general3A_26, %add3A_30 : vector<10000x128xf32>
    %swap3A = arith.constant 0 : index
    %swap3A_32 = arith.constant 0 : index
    %swap3A_33 = vector.load %arg6[%swap3A, %swap3A_32] : memref<10000x128xf32, #tpu.memory_space<vmem>>, vector<10000x128xf32>
    tpu.vector_store %arg6[%swap3A, %swap3A_32], %add3A_31 {strides = array<i32>} : memref<10000x128xf32, #tpu.memory_space<vmem>>, vector<10000x128xf32>,
    return
  }
}

</mosaic_0001>

<sc_bundles>
// kernel: kernel.6.cloned.1.call-start
scs
__scs_entry_jumppad:
0x0: {  	(pc) =	sbr.rel $0x88, $3  }
0x1: {  	(tag) =	ssettag $0x0;
	lr =	simm.s32 $0x1  }
0x2: {  	[smem:$0x3F9B] =	sst lr;
	_ =	strace $0xD0000000  }
0x3: {  	_ = 	snop  }
0x4: {  	_ = 	snop  }
0x5: {  	_ = 	snop  }
0x6: {  	_ = 	snop  }
0x7: {  	_ = 	snop  }
__scs_overlays_trampoline_lowered:
0x8: {  	[smem:$0x3FAA] =	sst s0  }
0x9: {  	[smem:$0x3FAB] =	sst s1  }
0xa: {  	[smem:$0x3FAC] =	sst s2  }
0xb: {  	[smem:$0x3FAD] =	sst s3  }
0xc: {  	[smem:$0x3FAE] =	sst s4  }
0xd: {  	[smem:$0x3FAF] =	sst s5  }
0xe: {  	[smem:$0x3FB0] =	sst s6  }
0xf: {  	[smem:$0x3FB1] =	sst s7  }
0x10: {  	[smem:$0x3FB2] =	sst s8  }
0x11: {  	[smem:$0x3FB3] =	sst s9;
	s0 =	simm.s32 @!p0 $0x0  }
0x12: {  	s1 =	sld [smem:$0x3F99];
	s0 =	simm.s32 @p0 $0x1  }
0x13: {  	[smem:$0x3FB4] =	sst s0;
	s0 =	simm.s32 @!p1 $0x0  }
0x14: {  	s2 =	sld [smem:$0x3F98];
	s0 =	simm.s32 @p1 $0x1  }
0x15: {  	[smem:$0x3FB5] =	sst s0;
	s0 =	simm.s32 @!p2 $0x0  }
0x16: {  	s3 =	sld [smem:$0x3FDB];
	s0 =	simm.s32 @p2 $0x1  }
0x17: {  	s4 =	simm.s32 $0x1BF5;
	[smem:$0x3FB7] =	sst s0  }
0x18: {  	s0 =	sld [smem:$0x3F9A];
	_ =	swait.ge [sflag:s4], $0x0  }
0x19: {  	s7 =	sld [smem:$0x3F9B]  }
0x1a: {  	s8 =	sadd.s32 $0xFFFFE003, lr  }
0x1b: {  	s9 =	sadd.s32 $0xFFFFFEF7, lr;
	s5 =	simm.s32 $0xFFFFFFFF;
	p2 =	slt.u32 s8, $0xFFFFF086  }
0x1c: {  	p1 =	slt.u32 s9, $0xF7A;
	s5 =	simm.s32 @!p2 $0x0  }
0x1d: {  	s5 =	simm.s32 @p1 $0x1;
	p0 =	seq.s32 s7, s2  }
0x1e: {  	s7 =	smul.u32 @!p0 $0xF7A, s2;
	p2 =	seq.s32 @!p0 s5, $0x0  }
0x1f: {  	s9 =	smul.u32 $0xF7A, s1;
	s8 =	simm.s32 @!p0 $0x1BF5;
	p2 =	por !p2, p0  }
0x20: {  	[sflag:s8] =	ssyncset.s32 @!p0 $0xFFFFF086;
	s6 =	sadd.s32 @!p0 s3, s7;
	s7 =	simm.s32 @!p0 $0x108  }
0x21: {  	s3 =	sadd.s32 s3, s9;
	s6 =	sadd.s32 @!p0 $0x88, s6;
	s7 =	simm.s32 @p2 $0x1082  }
0x22: {  	[simem:s7], [sflag:s8] =	dma.local @!p0 [hbm:s6], $0xF7A  }
0x23: {  	s9 =	sor.u32 $0xD0000000, s2;
	s6 =	simm.s32 $0x108;
	_ =	swait.ge @!p0 [sflag:s8], $0x0  }
0x24: {  	s3 =	sadd.s32 $0x88, s3;
	s6 =	simm.s32 @!p1 $0x1082;
	[sflag:s4] =	ssyncset.s32 $0xFFFFF086  }
0x25: {  	[simem:s6], [sflag:s4] =	dma.local [hbm:s3], $0xF7A  }
0x26: {  	[smem:$0x3F9B] =	sst s1;
	(tag) =	ssettag s2;
	_ =	strace s9  }
0x27: {  	s1 =	sld [smem:$0x3FAB]  }
0x28: {  	s2 =	sld [smem:$0x3FAC]  }
0x29: {  	s4 =	sld [smem:$0x3FAE]  }
0x2a: {  	p0 =	seq.s32 s5, $0x0;
	s5 =	sld [smem:$0x3FAF]  }
0x2b: {  	s6 =	sld [smem:$0x3FB0]  }
0x2c: {  	s7 =	sld [smem:$0x3FB1]  }
0x2d: {  	s3 =	simm.s32 $0x108;
	s8 =	sld [smem:$0x3FB2]  }
0x2e: {  	s3 =	simm.s32 @!p0 $0x1082;
	s9 =	sld [smem:$0x3FB3]  }
0x2f: {  	lr =	sadd.s32 s0, s3;
	s0 =	sld [smem:$0x3FAA]  }
0x30: {  	s3 =	sld [smem:$0x3FAD]  }
0x31: {  	[smem:$0x3FB6] =	sst s10  }
0x32: {  	s10 =	sld [smem:$0x3FB4];
	_ =	sdelay $0x3  }
0x33: {  	p0 =	seq.s32 s10, $0x1;
	s10 =	sld [smem:$0x3FB6];
	_ =	sdelay $0x3  }
0x34: {  	[smem:$0x3FB6] =	sst s10  }
0x35: {  	s10 =	sld [smem:$0x3FB5];
	_ =	sdelay $0x3  }
0x36: {  	p1 =	seq.s32 s10, $0x1;
	s10 =	sld [smem:$0x3FB6];
	_ =	sdelay $0x3  }
0x37: {  	[smem:$0x3FB6] =	sst s10  }
0x38: {  	s10 =	sld [smem:$0x3FB7]  }
0x39: {  	_ = 	snop;
	(pc) =	sbr.ind lr, $3  }
0x3a: {  	_ = 	snop  }
0x3b: {  	_ = 	snop  }
0x3c: {  	p2 =	seq.s32 s10, $0x1;
	s10 =	sld [smem:$0x3FB6]  }
0x3d: {  	_ =	shalt  }
0x3e: {  	_ =	shalt  }
0x3f: {  	_ =	shalt  }
0x40: {  	_ =	shalt  }
0x41: {  	_ =	shalt  }
0x42: {  	_ =	shalt  }
0x43: {  	_ =	shalt  }
0x44: {  	_ =	shalt  }
0x45: {  	_ =	shalt  }
0x46: {  	_ =	shalt  }
0x47: {  	_ =	shalt  }
0x48: {  	_ =	shalt  }
0x49: {  	_ =	shalt  }
0x4a: {  	_ =	shalt  }
0x4b: {  	_ =	shalt  }
0x4c: {  	_ =	shalt  }
0x4d: {  	_ =	shalt  }
0x4e: {  	_ =	shalt  }
0x4f: {  	_ =	shalt  }
0x50: {  	_ =	shalt  }
0x51: {  	_ =	shalt  }
0x52: {  	_ =	shalt  }
0x53: {  	_ =	shalt  }
0x54: {  	_ =	shalt  }
0x55: {  	_ =	shalt  }
0x56: {  	_ =	shalt  }
0x57: {  	_ =	shalt  }
0x58: {  	_ =	shalt  }
0x59: {  	_ =	shalt  }
0x5a: {  	_ =	shalt  }
0x5b: {  	_ =	shalt  }
0x5c: {  	_ =	shalt  }
0x5d: {  	_ =	shalt  }
0x5e: {  	_ =	shalt  }
0x5f: {  	_ =	shalt  }
0x60: {  	_ =	shalt  }
0x61: {  	_ =	shalt  }
0x62: {  	_ =	shalt  }
0x63: {  	_ =	shalt  }
0x64: {  	_ =	shalt  }
0x65: {  	_ =	shalt  }
0x66: {  	_ =	shalt  }
0x67: {  	_ =	shalt  }
0x68: {  	_ =	shalt  }
0x69: {  	_ =	shalt  }
0x6a: {  	_ =	shalt  }
0x6b: {  	_ =	shalt  }
0x6c: {  	_ =	shalt  }
0x6d: {  	_ =	shalt  }
0x6e: {  	_ =	shalt  }
0x6f: {  	_ =	shalt  }
0x70: {  	_ =	shalt  }
0x71: {  	_ =	shalt  }
0x72: {  	_ =	shalt  }
0x73: {  	_ =	shalt  }
0x74: {  	_ =	shalt  }
0x75: {  	_ =	shalt  }
0x76: {  	_ =	shalt  }
0x77: {  	_ =	shalt  }
0x78: {  	_ =	shalt  }
0x79: {  	_ =	shalt  }
0x7a: {  	_ =	shalt  }
0x7b: {  	_ =	shalt  }
0x7c: {  	_ =	shalt  }
0x7d: {  	_ =	shalt  }
0x7e: {  	_ =	shalt  }
0x7f: {  	_ =	shalt  }
0x80: {  	_ =	shalt  }
0x81: {  	_ =	shalt  }
0x82: {  	_ =	shalt  }
0x83: {  	_ =	shalt  }
0x84: {  	_ =	shalt  }
0x85: {  	_ =	shalt  }
0x86: {  	_ =	shalt  }
0x87: {  	_ =	shalt  }
.Lfunc_end0:
.L_simem_size_0:
called_computation_lowered:
.L_overlay_start_0:
0x88: {  	s2 =	sld [smem:$0x3FD9]  }
0x89: {  	s3 =	sld [smem:$0x3FFE];
	_ =	sdelay $0x1  }
0x8a: {  	s1 =	srdreg.scid  }
0x8b: {  	s0 =	sand.u32 $0x1, s1  }
0x8c: {  	s17 =	sshll.u32 s0, $0xA;
	s2 =	sadd.s32 s3, s2  }
0x8d: {  	s2 =	sadd.s32 s2, s17  }
0x8e: {  	[smem:$0x3FC2] =	sst s2  }
0x8f: {  	_ = 	snop  }
0x90: {  	s2 =	sld [smem:$0x3FD0];
	(tm) =	ssettm $0x1  }
0x91: {  	s18 =	sld [smem:$0x3FFB];
	_ =	sdelay $0x3  }
0x92: {  	_ =	strace s18  }
0x93: {  	s3 =	sld [smem:$0x3FFC];
	_ =	sdelay $0x3  }
0x94: {  	_ =	strace s3  }
0x95: {  	s3 =	sld [smem:$0x3FFD];
	_ =	sdelay $0x3  }
0x96: {  	_ =	strace s3  }
0x97: {  	_ =	strace $0x8FFFFFFF  }
0x98: {  	s19 =	sld [smem:$0x3FDB];
	_ =	sdelay $0x1  }
0x99: {  	s4 =	simm.s32 $_scs_section_size  }
0x9a: {  	s5 =	simm.s32 $_size__tile_overlayer_lowered;
	s6 =	simm.s32 $_tile_overlayer_lowered  }
0x9b: {  	s22 =	simm.s32 $0x1BFF;
	s21 =	sshll.u32 s6, $0x1;
	s3 =	sadd.s32 s4, s19  }
0x9c: {  	s7 =	simm.s32 $0x0;
	s20 =	sshll.u32 s5, $0x1;
	s5 =	sadd.s32 s21, s3  }
0x9d: {  	[timem:s7], [sflag:s22] =	dma.local [hbm:s5], s20  }
0x9e: {  	_ =	swait.ge [sflag:s22], s20  }
0x9f: {  	s4 =	ssub.s32 $0x0, s20;
	[sflag:s22] =	ssyncset.done $0x0  }
0xa0: {  	[sflag:s22] =	ssyncadd.s32 s4;
	_ =	sdelay $0x1  }
0xa1: {  	s23 =	simm.s32 $0x1B8B  }
0xa2: {  	_ =	swait.ge [sflag:s23], $0x1  }
0xa3: {  	[sflag:s23] =	ssyncset.done $0x0  }
0xa4: {  	s25 =	simm.s32 $0x1B8E;
	s24 =	sld [smem:$0x3FFE];
	[sflag:s23] =	ssyncadd.s32 $0xFFFFFFFF  }
0xa5: {  	s26 =	simm.s32 $execute0_lowered;
	[smem:$0x3FD2] =	sst s25  }
0xa6: {  	s5 =	sshll.u32 s26, $0x1;
	_ =	strace $0x80000046;
	[dreg:$0x1] =	wrdreg $0xFFFFFFFF  }
0xa7: {  	s28 =	simm.s32 $_size_execute0_lowered;
	s3 =	sadd.s32 s3, s5;
	[dreg:$0x0] =	wrdreg $0x0  }
0xa8: {  	s5 =	sshll.u32 s28, $0x1;
	[dreg:$0x2] =	wrdreg s3  }
0xa9: {  	[dreg:$0x3] =	wrdreg s5  }
0xaa: {  	[dreg:$0x4] =	wrdreg $0xC0  }
0xab: {  	_ =	task [dreg:s7], $0x5FFFF  }
0xac: {  	[dreg:$0x1] =	wrdreg $0xFFFFFFFF  }
0xad: {  	[dreg:$0x0] =	wrdreg $0x60  }
0xae: {  	[dreg:$0x2] =	wrdreg s2  }
0xaf: {  	[dreg:$0x3] =	wrdreg s24  }
0xb0: {  	[dreg:$0x4] =	wrdreg $0x9  }
0xb1: {  	_ =	task.clear_ibuf [dreg:s7], $0x5FFFF;
	_ =	strace $0x90000046  }
0xb2: {  	s29 =	simm.s32 $0x9;
	_ =	strace $0x80000048  }
0xb3: {  	_ =	swait.ge [sflag:s29], $0x1  }
0xb4: {  	[sflag:s29] =	ssyncadd.s32 $0xFFFFFFFF  }
0xb5: {  	_ =	strace $0x90000048  }
0xb6: {  	_ =	sfence  }
0xb7: {  	s30 =	sld [smem:$0x0];
	_ =	sdelay $0x2  }
0xb8: {  	s31 =	sshll.u32 s1, $0xD;
	s1 =	sshrl.u32 s1, $0x2  }
0xb9: {  	s3 =	sand.u32 $0x4000, s31;
	s1 =	sadd.s32 s1, s30  }
0xba: {  	s0 =	sor.u32 s3, s0;
	s1 =	sshll.u32 s1, $0x11  }
0xbb: {  	s0 =	sor.u32 s1, s0  }
0xbc: {  	s0 =	sadd.s32 $0x8F2B, s0  }
0xbd: {  	[sflag:s0] =	ssyncadd.remote.s32 $0x1  }
0xbe: {  	_ =	sfence.sel $0xFFFF  }
0xbf: {  	[dreg:$0x0] =	wrdreg $0xFFFFFFFF;
	(pc) =	sbr.abs _section_cstart, $3  }
0xc0: {  	[dreg:$0x1] =	wrdreg $0xFFFFFFFF  }
0xc1: {  	_ =	task.clear_ibuf [dreg:s7], $0x2FFFF;
	_ =	strace $0x9FFFFFFF  }
0xc2: {  	(tm) =	ssettm $0x7FFFFFFF  }
0xc3: {  	_ =	shalt  }
tec
execute0_lowered:
.L_overlay_start_1:
0x0: {  	(tag) =	ssettag $0x1  }
0x1: {  	s3 =	rddreg [dreg:$0x0];
	s1 =	srdreg.scid  }
0x2: {  	s0 =	stileid.u32;
	s4 =	rddreg [dreg:$0x1];
	s9 =	simm.s32 $0x400  }
0x3: {  	s5 =	sand.u32 $0x1, s1;
	s2 =	sshll.u32 s0, $0x1;
	s1 =	rddreg [dreg:$0x2]  }
0x4: {  	s7 =	sshrl.u32 s0, $0x2;
	s6 =	sor.u32 s5, s2;
	s2 =	simm.s32 $0x0  }
0x5: {  	s7 =	smul.u32 $0x13C00, s7;
	s5 =	ssub.s32 $0x2, s5;
	s8 =	sshll.u32 s6, $0x7  }
0x6: {  	[smem:$0x7FF] =	sst s2;
	s6 =	smul.u32 $0x500, s6;
	s8 =	sand.u32 $0x380, s8  }
0x7: {  	s31 =	sshrl.u32 s5, $0x1;
	_ =	strace $0x80000047;
	s7 =	sor.u32 s7, s8  }
0x8: {  	s5 =	ssub.s32 s5, s31;
	s3 =	sadd.s32 s3, s6;
	s7 =	sshrl.u32 s7, $0x3  }
0x9: {  	s5 =	smax.u32 s5, $0x1;
	s6 =	simm.s32 $0x1;
	s4 =	sadd.s32 s7, s4  }
0xa: {  	v0 =	vimm.s32 $0x0;
	s8 =	simm.s32 $0x80;
	s7 =	simm.s32 $0x2800;
	s4 =	sadd.s32 $0x2400, s4  }
.LBB2_1:
0xb: {  	s10 =	simm.s32 $0x40;
	s11 =	simm.s32 $0x0  }
.LBB2_2:
0xc: {  	p0 =	sne.s32 s10, $0x9DC0;
	[tilespmem:s11+$0x2800] =	vst v0;
	s11 =	smov.u32 s10;
	s10 =	sadd.s32 $0x40, s10  }
.Ltmp0:
0xd: {  	(pc) =	sbr.rel @p0 .LBB2_2-.Ltmp0, $2  }
0xe: {  	_ =	sdelay $0x2  }
0xf: {  	s11 =	sshra.s32 s11, $0x2  }
0x10: {  	[tilespmem:s11+$0x2800] =	vst v0;
	s10 =	simm.s32 $0x0  }
0x11: {  	[tilespmem:s10], [sflag:$0x1] =	stream.linear.gather [hbm4b:s3+s10], $0x2800, $0x38;
	[tilespmem:$0x4F80] =	vst v63  }
0x12: {  	_ =	swait.ge [sflag:s6], $0x2800  }
0x13: {  	[sflag:s6] =	ssyncset.done $0x0  }
0x14: {  	[sflag:s6] =	ssyncadd.s32 $0xFFFFD800  }
.LBB2_4:
0x15: {  	s11 =	sshra.s32 s10, $0x2  }
0x16: {  	v1 =	vld [tilespmem:s11+$0x0];
	_ =	sdelay $0x4  }
0x17: {  	(xrf1) =	vunique.msk.u32 $0xffff, v1;
	_ =	sdelay $0xd  }
0x18: {  	_, v2, vm0 =	vpop (xrf1);
	_ =	sdelay $0x5  }
0x19: {  	[tilespmem:v1+s7+$0x0] =	vst.idx.add.s32.msk vm0, v2  }
0x1a: {  	v1 =	vld [tilespmem:s11+$0x10];
	_ =	sdelay $0x4  }
0x1b: {  	(xrf1) =	vunique.msk.u32 $0xffff, v1;
	_ =	sdelay $0xd  }
0x1c: {  	_, v2, vm0 =	vpop (xrf1);
	_ =	sdelay $0x5  }
0x1d: {  	[tilespmem:v1+s7+$0x0] =	vst.idx.add.s32.msk vm0, v2  }
0x1e: {  	v1 =	vld [tilespmem:s11+$0x20];
	_ =	sdelay $0x4  }
0x1f: {  	(xrf1) =	vunique.msk.u32 $0xffff, v1;
	_ =	sdelay $0xd  }
0x20: {  	_, v2, vm0 =	vpop (xrf1);
	_ =	sdelay $0x5  }
0x21: {  	[tilespmem:v1+s7+$0x0] =	vst.idx.add.s32.msk vm0, v2  }
0x22: {  	v1 =	vld [tilespmem:s11+$0x30];
	_ =	sdelay $0x4  }
0x23: {  	(xrf1) =	vunique.msk.u32 $0xffff, v1;
	_ =	sdelay $0xd  }
0x24: {  	_, v2, vm0 =	vpop (xrf1);
	_ =	sdelay $0x5  }
0x25: {  	[tilespmem:v1+s7+$0x0] =	vst.idx.add.s32.msk vm0, v2  }
0x26: {  	v1 =	vld [tilespmem:s11+$0x40];
	_ =	sdelay $0x4  }
0x27: {  	(xrf1) =	vunique.msk.u32 $0xffff, v1;
	_ =	sdelay $0xd  }
0x28: {  	_, v2, vm0 =	vpop (xrf1);
	_ =	sdelay $0x5  }
0x29: {  	[tilespmem:v1+s7+$0x0] =	vst.idx.add.s32.msk vm0, v2  }
0x2a: {  	v1 =	vld [tilespmem:s11+$0x50];
	_ =	sdelay $0x4  }
0x2b: {  	(xrf1) =	vunique.msk.u32 $0xffff, v1;
	_ =	sdelay $0xd  }
0x2c: {  	_, v2, vm0 =	vpop (xrf1);
	_ =	sdelay $0x5  }
0x2d: {  	[tilespmem:v1+s7+$0x0] =	vst.idx.add.s32.msk vm0, v2  }
0x2e: {  	v1 =	vld [tilespmem:s11+$0x60];
	_ =	sdelay $0x4  }
0x2f: {  	(xrf1) =	vunique.msk.u32 $0xffff, v1;
	_ =	sdelay $0xd  }
0x30: {  	_, v2, vm0 =	vpop (xrf1);
	_ =	sdelay $0x5  }
0x31: {  	[tilespmem:v1+s7+$0x0] =	vst.idx.add.s32.msk vm0, v2  }
0x32: {  	v1 =	vld [tilespmem:s11+$0x70];
	_ =	sdelay $0x4  }
0x33: {  	(xrf1) =	vunique.msk.u32 $0xffff, v1;
	_ =	sdelay $0xd  }
0x34: {  	_, v2, vm0 =	vpop (xrf1)  }
0x35: {  	p0 =	sne.s32 s10, $0x9E00  }
.Ltmp1:
0x36: {  	_ = 	snop;
	(pc) =	sbr.rel @p0 .LBB2_4-.Ltmp1, $2  }
0x37: {  	_ =	sdelay $0x2  }
0x38: {  	s10 =	sadd.s32 $0x200, s10;
	[tilespmem:v1+s7+$0x0] =	vst.idx.add.s32.msk vm0, v2  }
0x39: {  	s2 =	sadd.s32 $0x1, s2  }
0x3a: {  	p0 =	sne.s32 s2, s5  }
.Ltmp2:
0x3b: {  	_ = 	snop;
	(pc) =	sbr.rel @p0 .LBB2_1-.Ltmp2, $4  }
0x3c: {  	[hbm4b:s4+s8] =	stream.strided.scatter [tilespmem:s7], [sflag:$0x1], $0x2780, s9, s8, $0x38;
	[tilespmem:$0x4F80] =	vst v63  }
0x3d: {  	_ =	swait.ge [sflag:s6], $0x2780  }
0x3e: {  	[sflag:s6] =	ssyncset.done $0x0  }
0x3f: {  	[sflag:s6] =	ssyncadd.s32 $0xFFFFD880  }
0x40: {  	_ =	sfence.sel $0x180000  }
0x41: {  	[bflag:$0x0] =	sbarrier.arrive $0xFFFF  }
0x42: {  	p0 =	sne.s32 s0, $0x0;
	_ =	strace $0x90000047  }
0x43: {  	s0 =	sadd.s32 @!p0 $0x100000, s1;
	[bflag:$0x2] =	sbarrier.arrive $0xFFFF  }
0x44: {  	[sflag:s0] =	ssyncadd.tile.s32 @!p0 $0x1;
	_ =	shalt  }
.Lfunc_end2:
_tile_overlayer_lowered:
.L_overlay_start_2:
0x45: {  	(tag) =	ssettag $0x2  }
0x46: {  	s0 =	rddreg [dreg:$0x0];
	s2 =	stileid.u32  }
0x47: {  	s1 =	rddreg [dreg:$0x1];
	p0 =	sne.s32 s2, $0x0  }
0x48: {  	s3 =	rddreg [dreg:$0x2];
	[bflag:$0x3] =	sbarrier.arrive $0xFFFF;
	s2 =	simm.s32 @!p0 $0x1C01  }
0x49: {  	[timem:s3], [sflag:s2] =	dma.local @!p0 [hbm:s0], s1  }
0x4a: {  	s0 =	simm.s32 @!p0 $0x1  }
0x4b: {  	_ =	swait.ge @!p0 [sflag:s0], s1  }
0x4c: {  	s1 =	ssub.s32 @!p0 $0x0, s1;
	[sflag:s0] =	ssyncset.done @!p0 $0x0  }
0x4d: {  	[sflag:s0] =	ssyncadd.s32 @!p0 s1  }
0x4e: {  	[bflag:$0x3] =	sbarrier.arrive $0xFFFF  }
0x4f: {  	_ =	shalt  }

// kernel: kernel.9.cloned.1.call-start
scs
__scs_entry_jumppad:
0x0: {  	(pc) =	sbr.rel $0x88, $3  }
0x1: {  	(tag) =	ssettag $0x0;
	lr =	simm.s32 $0x1  }
0x2: {  	[smem:$0x3F9B] =	sst lr;
	_ =	strace $0xD0000000  }
0x3: {  	_ = 	snop  }
0x4: {  	_ = 	snop  }
0x5: {  	_ = 	snop  }
0x6: {  	_ = 	snop  }
0x7: {  	_ = 	snop  }
__scs_overlays_trampoline_lowered:
0x8: {  	[smem:$0x3FAA] =	sst s0  }
0x9: {  	[smem:$0x3FAB] =	sst s1  }
0xa: {  	[smem:$0x3FAC] =	sst s2  }
0xb: {  	[smem:$0x3FAD] =	sst s3  }
0xc: {  	[smem:$0x3FAE] =	sst s4  }
0xd: {  	[smem:$0x3FAF] =	sst s5  }
0xe: {  	[smem:$0x3FB0] =	sst s6  }
0xf: {  	[smem:$0x3FB1] =	sst s7  }
0x10: {  	[smem:$0x3FB2] =	sst s8  }
0x11: {  	[smem:$0x3FB3] =	sst s9;
	s0 =	simm.s32 @!p0 $0x0  }
0x12: {  	s1 =	sld [smem:$0x3F99];
	s0 =	simm.s32 @p0 $0x1  }
0x13: {  	[smem:$0x3FB4] =	sst s0;
	s0 =	simm.s32 @!p1 $0x0  }
0x14: {  	s2 =	sld [smem:$0x3F98];
	s0 =	simm.s32 @p1 $0x1  }
0x15: {  	[smem:$0x3FB5] =	sst s0;
	s0 =	simm.s32 @!p2 $0x0  }
0x16: {  	s3 =	sld [smem:$0x3FDB];
	s0 =	simm.s32 @p2 $0x1  }
0x17: {  	s4 =	simm.s32 $0x1BF5;
	[smem:$0x3FB7] =	sst s0  }
0x18: {  	s0 =	sld [smem:$0x3F9A];
	_ =	swait.ge [sflag:s4], $0x0  }
0x19: {  	s7 =	sld [smem:$0x3F9B]  }
0x1a: {  	s8 =	sadd.s32 $0xFFFFE003, lr  }
0x1b: {  	s9 =	sadd.s32 $0xFFFFFEF7, lr;
	s5 =	simm.s32 $0xFFFFFFFF;
	p2 =	slt.u32 s8, $0xFFFFF086  }
0x1c: {  	p1 =	slt.u32 s9, $0xF7A;
	s5 =	simm.s32 @!p2 $0x0  }
0x1d: {  	s5 =	simm.s32 @p1 $0x1;
	p0 =	seq.s32 s7, s2  }
0x1e: {  	s7 =	smul.u32 @!p0 $0xF7A, s2;
	p2 =	seq.s32 @!p0 s5, $0x0  }
0x1f: {  	s9 =	smul.u32 $0xF7A, s1;
	s8 =	simm.s32 @!p0 $0x1BF5;
	p2 =	por !p2, p0  }
0x20: {  	[sflag:s8] =	ssyncset.s32 @!p0 $0xFFFFF086;
	s6 =	sadd.s32 @!p0 s3, s7;
	s7 =	simm.s32 @!p0 $0x108  }
0x21: {  	s3 =	sadd.s32 s3, s9;
	s6 =	sadd.s32 @!p0 $0x88, s6;
	s7 =	simm.s32 @p2 $0x1082  }
0x22: {  	[simem:s7], [sflag:s8] =	dma.local @!p0 [hbm:s6], $0xF7A  }
0x23: {  	s9 =	sor.u32 $0xD0000000, s2;
	s6 =	simm.s32 $0x108;
	_ =	swait.ge @!p0 [sflag:s8], $0x0  }
0x24: {  	s3 =	sadd.s32 $0x88, s3;
	s6 =	simm.s32 @!p1 $0x1082;
	[sflag:s4] =	ssyncset.s32 $0xFFFFF086  }
0x25: {  	[simem:s6], [sflag:s4] =	dma.local [hbm:s3], $0xF7A  }
0x26: {  	[smem:$0x3F9B] =	sst s1;
	(tag) =	ssettag s2;
	_ =	strace s9  }
0x27: {  	s1 =	sld [smem:$0x3FAB]  }
0x28: {  	s2 =	sld [smem:$0x3FAC]  }
0x29: {  	s4 =	sld [smem:$0x3FAE]  }
0x2a: {  	p0 =	seq.s32 s5, $0x0;
	s5 =	sld [smem:$0x3FAF]  }
0x2b: {  	s6 =	sld [smem:$0x3FB0]  }
0x2c: {  	s7 =	sld [smem:$0x3FB1]  }
0x2d: {  	s3 =	simm.s32 $0x108;
	s8 =	sld [smem:$0x3FB2]  }
0x2e: {  	s3 =	simm.s32 @!p0 $0x1082;
	s9 =	sld [smem:$0x3FB3]  }
0x2f: {  	lr =	sadd.s32 s0, s3;
	s0 =	sld [smem:$0x3FAA]  }
0x30: {  	s3 =	sld [smem:$0x3FAD]  }
0x31: {  	[smem:$0x3FB6] =	sst s10  }
0x32: {  	s10 =	sld [smem:$0x3FB4];
	_ =	sdelay $0x3  }
0x33: {  	p0 =	seq.s32 s10, $0x1;
	s10 =	sld [smem:$0x3FB6];
	_ =	sdelay $0x3  }
0x34: {  	[smem:$0x3FB6] =	sst s10  }
0x35: {  	s10 =	sld [smem:$0x3FB5];
	_ =	sdelay $0x3  }
0x36: {  	p1 =	seq.s32 s10, $0x1;
	s10 =	sld [smem:$0x3FB6];
	_ =	sdelay $0x3  }
0x37: {  	[smem:$0x3FB6] =	sst s10  }
0x38: {  	s10 =	sld [smem:$0x3FB7]  }
0x39: {  	_ = 	snop;
	(pc) =	sbr.ind lr, $3  }
0x3a: {  	_ = 	snop  }
0x3b: {  	_ = 	snop  }
0x3c: {  	p2 =	seq.s32 s10, $0x1;
	s10 =	sld [smem:$0x3FB6]  }
0x3d: {  	_ =	shalt  }
0x3e: {  	_ =	shalt  }
0x3f: {  	_ =	shalt  }
0x40: {  	_ =	shalt  }
0x41: {  	_ =	shalt  }
0x42: {  	_ =	shalt  }
0x43: {  	_ =	shalt  }
0x44: {  	_ =	shalt  }
0x45: {  	_ =	shalt  }
0x46: {  	_ =	shalt  }
0x47: {  	_ =	shalt  }
0x48: {  	_ =	shalt  }
0x49: {  	_ =	shalt  }
0x4a: {  	_ =	shalt  }
0x4b: {  	_ =	shalt  }
0x4c: {  	_ =	shalt  }
0x4d: {  	_ =	shalt  }
0x4e: {  	_ =	shalt  }
0x4f: {  	_ =	shalt  }
0x50: {  	_ =	shalt  }
0x51: {  	_ =	shalt  }
0x52: {  	_ =	shalt  }
0x53: {  	_ =	shalt  }
0x54: {  	_ =	shalt  }
0x55: {  	_ =	shalt  }
0x56: {  	_ =	shalt  }
0x57: {  	_ =	shalt  }
0x58: {  	_ =	shalt  }
0x59: {  	_ =	shalt  }
0x5a: {  	_ =	shalt  }
0x5b: {  	_ =	shalt  }
0x5c: {  	_ =	shalt  }
0x5d: {  	_ =	shalt  }
0x5e: {  	_ =	shalt  }
0x5f: {  	_ =	shalt  }
0x60: {  	_ =	shalt  }
0x61: {  	_ =	shalt  }
0x62: {  	_ =	shalt  }
0x63: {  	_ =	shalt  }
0x64: {  	_ =	shalt  }
0x65: {  	_ =	shalt  }
0x66: {  	_ =	shalt  }
0x67: {  	_ =	shalt  }
0x68: {  	_ =	shalt  }
0x69: {  	_ =	shalt  }
0x6a: {  	_ =	shalt  }
0x6b: {  	_ =	shalt  }
0x6c: {  	_ =	shalt  }
0x6d: {  	_ =	shalt  }
0x6e: {  	_ =	shalt  }
0x6f: {  	_ =	shalt  }
0x70: {  	_ =	shalt  }
0x71: {  	_ =	shalt  }
0x72: {  	_ =	shalt  }
0x73: {  	_ =	shalt  }
0x74: {  	_ =	shalt  }
0x75: {  	_ =	shalt  }
0x76: {  	_ =	shalt  }
0x77: {  	_ =	shalt  }
0x78: {  	_ =	shalt  }
0x79: {  	_ =	shalt  }
0x7a: {  	_ =	shalt  }
0x7b: {  	_ =	shalt  }
0x7c: {  	_ =	shalt  }
0x7d: {  	_ =	shalt  }
0x7e: {  	_ =	shalt  }
0x7f: {  	_ =	shalt  }
0x80: {  	_ =	shalt  }
0x81: {  	_ =	shalt  }
0x82: {  	_ =	shalt  }
0x83: {  	_ =	shalt  }
0x84: {  	_ =	shalt  }
0x85: {  	_ =	shalt  }
0x86: {  	_ =	shalt  }
0x87: {  	_ =	shalt  }
.Lfunc_end0:
.L_simem_size_0:
called_computation.1_lowered:
.L_overlay_start_0:
0x88: {  	s2 =	sld [smem:$0x3FD9]  }
0x89: {  	s3 =	sld [smem:$0x3FFE];
	_ =	sdelay $0x1  }
0x8a: {  	s1 =	srdreg.scid  }
0x8b: {  	s0 =	sand.u32 $0x1, s1  }
0x8c: {  	s17 =	sshll.u32 s0, $0xA;
	s2 =	sadd.s32 s3, s2  }
0x8d: {  	s2 =	sadd.s32 s2, s17  }
0x8e: {  	[smem:$0x3FC2] =	sst s2  }
0x8f: {  	_ = 	snop  }
0x90: {  	s2 =	sld [smem:$0x3FD0];
	(tm) =	ssettm $0x1  }
0x91: {  	s18 =	sld [smem:$0x3FFB];
	_ =	sdelay $0x3  }
0x92: {  	_ =	strace s18  }
0x93: {  	s3 =	sld [smem:$0x3FFC];
	_ =	sdelay $0x3  }
0x94: {  	_ =	strace s3  }
0x95: {  	s3 =	sld [smem:$0x3FFD];
	_ =	sdelay $0x3  }
0x96: {  	_ =	strace s3  }
0x97: {  	_ =	strace $0x8FFFFFFF  }
0x98: {  	s19 =	sld [smem:$0x3FDB];
	_ =	sdelay $0x1  }
0x99: {  	s4 =	simm.s32 $_scs_section_size  }
0x9a: {  	s5 =	simm.s32 $_size__tile_overlayer_lowered;
	s6 =	simm.s32 $_tile_overlayer_lowered  }
0x9b: {  	s22 =	simm.s32 $0x1BFF;
	s21 =	sshll.u32 s6, $0x1;
	s3 =	sadd.s32 s4, s19  }
0x9c: {  	s7 =	simm.s32 $0x0;
	s20 =	sshll.u32 s5, $0x1;
	s5 =	sadd.s32 s21, s3  }
0x9d: {  	[timem:s7], [sflag:s22] =	dma.local [hbm:s5], s20  }
0x9e: {  	_ =	swait.ge [sflag:s22], s20  }
0x9f: {  	s4 =	ssub.s32 $0x0, s20;
	[sflag:s22] =	ssyncset.done $0x0  }
0xa0: {  	[sflag:s22] =	ssyncadd.s32 s4;
	_ =	sdelay $0x1  }
0xa1: {  	s23 =	simm.s32 $0x1B8B  }
0xa2: {  	_ =	swait.ge [sflag:s23], $0x1  }
0xa3: {  	[sflag:s23] =	ssyncset.done $0x0  }
0xa4: {  	s25 =	simm.s32 $0x1B8E;
	s24 =	sld [smem:$0x3FFE];
	[sflag:s23] =	ssyncadd.s32 $0xFFFFFFFF  }
0xa5: {  	s26 =	simm.s32 $execute0_lowered;
	[smem:$0x3FD2] =	sst s25  }
0xa6: {  	s5 =	sshll.u32 s26, $0x1;
	_ =	strace $0x80000049;
	[dreg:$0x1] =	wrdreg $0xFFFFFFFF  }
0xa7: {  	s28 =	simm.s32 $_size_execute0_lowered;
	s3 =	sadd.s32 s3, s5;
	[dreg:$0x0] =	wrdreg $0x0  }
0xa8: {  	s5 =	sshll.u32 s28, $0x1;
	[dreg:$0x2] =	wrdreg s3  }
0xa9: {  	[dreg:$0x3] =	wrdreg s5  }
0xaa: {  	[dreg:$0x4] =	wrdreg $0xC0  }
0xab: {  	_ =	task [dreg:s7], $0x5FFFF  }
0xac: {  	[dreg:$0x1] =	wrdreg $0xFFFFFFFF  }
0xad: {  	[dreg:$0x0] =	wrdreg $0x60  }
0xae: {  	[dreg:$0x2] =	wrdreg s2  }
0xaf: {  	[dreg:$0x3] =	wrdreg s24  }
0xb0: {  	[dreg:$0x4] =	wrdreg $0xC0000  }
0xb1: {  	[dreg:$0x5] =	wrdreg $0x9  }
0xb2: {  	_ =	task.clear_ibuf [dreg:s7], $0x6FFFF;
	_ =	strace $0x90000049  }
0xb3: {  	s29 =	simm.s32 $0x9;
	_ =	strace $0x8000004B  }
0xb4: {  	_ =	swait.ge [sflag:s29], $0x1  }
0xb5: {  	[sflag:s29] =	ssyncadd.s32 $0xFFFFFFFF  }
0xb6: {  	_ =	strace $0x9000004B  }
0xb7: {  	_ =	sfence  }
0xb8: {  	s30 =	sld [smem:$0x0];
	_ =	sdelay $0x2  }
0xb9: {  	s31 =	sshll.u32 s1, $0xD;
	s1 =	sshrl.u32 s1, $0x2  }
0xba: {  	s3 =	sand.u32 $0x4000, s31;
	s1 =	sadd.s32 s1, s30  }
0xbb: {  	s0 =	sor.u32 s3, s0;
	s1 =	sshll.u32 s1, $0x11  }
0xbc: {  	s0 =	sor.u32 s1, s0  }
0xbd: {  	s0 =	sadd.s32 $0x8F2B, s0  }
0xbe: {  	[sflag:s0] =	ssyncadd.remote.s32 $0x1  }
0xbf: {  	_ =	sfence.sel $0xFFFF  }
0xc0: {  	[dreg:$0x0] =	wrdreg $0xFFFFFFFF;
	(pc) =	sbr.abs _section_cstart, $3  }
0xc1: {  	[dreg:$0x1] =	wrdreg $0xFFFFFFFF  }
0xc2: {  	_ =	task.clear_ibuf [dreg:s7], $0x2FFFF;
	_ =	strace $0x9FFFFFFF  }
0xc3: {  	(tm) =	ssettm $0x7FFFFFFF  }
tec
execute0_lowered:
.L_overlay_start_1:
0x0: {  	(tag) =	ssettag $0x1  }
0x1: {  	s1 =	rddreg [dreg:$0x0]  }
0x2: {  	s6 =	rddreg [dreg:$0x1]  }
0x3: {  	s2 =	rddreg [dreg:$0x2];
	s3 =	srdreg.scid  }
0x4: {  	s4 =	simm.s32 $0x0;
	s0 =	stileid.u32;
	s21 =	simm.s32 $0x1  }
0x5: {  	s22 =	simm.s32 $0x0;
	s7 =	sand.u32 $0x1, s3;
	[smem:$0x7FF] =	sst s4  }
0x6: {  	s8 =	smul.u32 $0x13C00, s0;
	s10 =	sadd.s32 $0xC200, s6;
	s11 =	sadd.s32 $0x1C200, s6  }
0x7: {  	s13 =	smul.u32 $0x4F000, s0;
	s25 =	sshll.u32 s0, $0xE;
	s26 =	sshll.u32 s0, $0x6  }
0x8: {  	s5 =	smul.u32 $0x13C000, s7;
	_ =	strace $0x8000004A;
	s23 =	ssub.s32 $0x2, s7  }
0x9: {  	p0 =	seq.s32 s7, $0x0;
	s7 =	sshll.u32 s7, $0x12;
	s12 =	sshrl.u32 s23, $0x1  }
0xa: {  	s24 =	sshrl.u32 s13, $0x2;
	s5 =	sadd.s32 s8, s5;
	s15 =	ssub.s32 s23, s12  }
0xb: {  	s16 =	sadd.s32 s24, s2;
	s9 =	sshrl.u32 s5, $0x3;
	s5 =	sadd.s32 $0x2400, s6  }
0xc: {  	s19 =	sadd.s32 $0x10000, s16;
	s13 =	smax.u32 s15, $0x1;
	s17 =	sadd.s32 $0x4000, s16  }
0xd: {  	s18 =	sadd.s32 $0x8000, s16;
	s20 =	sadd.s32 $0xC000, s16;
	s15 =	simm.s32 $0x2  }
0xe: {  	s14 =	sadd.s32 s9, s6;
	s6 =	simm.s32 $0x40;
	s9 =	sor.u32 s25, s7  }
0xf: {  	s7 =	sor.u32 $0x1C02, s26;
	s19 =	sshrl.u32 s19, $0x3;
	s6 =	simm.s32 @!p0 $0x10  }
0x10: {  	s12 =	sadd.s32 $0x2C200, s14;
	s14 =	sshrl.u32 s16, $0x3;
	s16 =	sshrl.u32 s17, $0x3  }
0x11: {  	s17 =	sshrl.u32 s18, $0x3;
	s18 =	sshrl.u32 s20, $0x3;
	s28 =	sshll.u32 s6, $0x7  }
0x12: {  	s20 =	simm.s32 $0x4000;
	s29 =	sor.u32 s9, s28;
	s9 =	sshrl.u32 s9, $0x3  }
0x13: {  	s30 =	sshrl.u32 s29, $0x3;
	s31 =	sadd.s32 s10, s9;
	s9 =	sadd.s32 s11, s9  }
0x14: {  	[dreg:$0x4] =	wrdreg s31;
	s10 =	sadd.s32 s10, s30;
	s11 =	sadd.s32 s11, s30  }
.LBB2_1:
0x15: {  	[spmem:s14], [sflag:s7] =	dma.local [hbm:s5], $0x800  }
0x16: {  	_ =	swait.ge [sflag:s15], $0x800  }
0x17: {  	[sflag:s15] =	ssyncset.done $0x0  }
0x18: {  	[sflag:s15] =	ssyncadd.s32 $0xFFFFF800  }
0x19: {  	[spmem:s16], [sflag:s7] =	dma.local [hbm:s5], $0x800  }
0x1a: {  	_ =	swait.ge [sflag:s15], $0x800  }
0x1b: {  	[sflag:s15] =	ssyncset.done $0x0  }
0x1c: {  	[sflag:s15] =	ssyncadd.s32 $0xFFFFF800  }
0x1d: {  	[spmem:s17], [sflag:s7] =	dma.local [hbm:s5], $0x800  }
0x1e: {  	_ =	swait.ge [sflag:s15], $0x800  }
0x1f: {  	[sflag:s15] =	ssyncset.done $0x0  }
0x20: {  	[sflag:s15] =	ssyncadd.s32 $0xFFFFF800  }
0x21: {  	[spmem:s18], [sflag:s7] =	dma.local [hbm:s5], $0x800  }
0x22: {  	_ =	swait.ge [sflag:s15], $0x800  }
0x23: {  	[sflag:s15] =	ssyncset.done $0x0  }
0x24: {  	[sflag:s15] =	ssyncadd.s32 $0xFFFFF800  }
0x25: {  	[spmem:s19], [sflag:s7] =	dma.local [hbm:s5], $0x780  }
0x26: {  	_ =	swait.ge [sflag:s15], $0x780  }
0x27: {  	[sflag:s15] =	ssyncset.done $0x0  }
0x28: {  	[sflag:s15] =	ssyncadd.s32 $0xFFFFF880  }
0x29: {  	[bflag:$0x0] =	sbarrier.arrive $0xFFFF  }
0x2a: {  	s0 =	rddreg [dreg:$0x4]  }
0x2b: {  	[tilespmem:s4], [sflag:$0x2] =	stream.linear.gather [hbm4b:s0+s4], $0x2000, $0x38;
	[tilespmem:$0x1FC00] =	vst v63  }
0x2c: {  	_ =	swait.ge [sflag:s15], $0x2000  }
0x2d: {  	[sflag:s15] =	ssyncset.done $0x0  }
0x2e: {  	s23 =	simm.s32 $0x2000;
	[sflag:s15] =	ssyncadd.s32 $0xFFFFE000  }
0x2f: {  	[tilespmem:s23], [sflag:$0x2] =	stream.linear.gather [hbm4b:s9+s4], $0x2000, $0x38;
	[tilespmem:$0x1FC00] =	vst v63  }
0x30: {  	_ =	swait.ge [sflag:s15], $0x2000  }
0x31: {  	[sflag:s15] =	ssyncset.done $0x0  }
0x32: {  	s24 =	simm.s32 $0x80;
	p0 =	sle.u32 s6, $0x1;
	[sflag:s15] =	ssyncadd.s32 $0xFFFFE000  }
0x33: {  	[tilespmem:s20], [sflag:$0x1] =	stream.indirect.gather [hbm4b:s1+s24], $0x80, s4, s24, $0xb8;
	[tilespmem:$0x1FC00] =	vst v63  }
0x34: {  	p1 =	sne.s32 s6, $0x1;
	s25 =	sand.u32 @p0 $0x4000, s4;
	_ =	swait.ge [sflag:s21], $0x4000  }
0x35: {  	s26 =	sxor.u32 @!p0 $0xFFFFFFFF, s4;
	s28 =	simm.s32 @p0 $0x80;
	[sflag:s21] =	ssyncset.done $0x0  }
0x36: {  	s25 =	sadd.s32 @p0 $0x4000, s25;
	s26 =	sand.u32 @!p0 $0x4000, s26;
	[sflag:s21] =	ssyncadd.s32 $0xFFFFC000  }
0x37: {  	[spmem:s2] =	stream.indirect.scatter.add.f32 @p0 [tilespmem:s25], [sflag:$0x2], $0x80, s23, s28, $0xb8;
	[tilespmem:$0x1FC00] =	vst v63  }
0x38: {  	s26 =	sadd.s32 @!p0 $0x4000, s26;
	s25 =	sand.u32 @!p0 $0x4000, s4;
	s28 =	simm.s32 @!p0 $0x80  }
0x39: {  	[tilespmem:s26], [sflag:$0x1] =	stream.indirect.gather @!p0 [hbm4b:s1+s28], $0x80, s24, s28, $0xb8;
	[tilespmem:$0x1FC00] =	vst v63  }
.Ltmp0:
0x3a: {  	s29 =	simm.s32 @!p0 $0x2;
	s25 =	sadd.s32 @!p0 $0x4000, s25;
	(pc) =	sbr.rel @!p1 .LBB2_3-.Ltmp0, $4  }
0x3b: {  	[spmem:s2] =	stream.indirect.scatter.add.f32 @!p0 [tilespmem:s25], [sflag:$0x2], $0x80, s23, s28, $0xb8;
	[tilespmem:$0x1FC00] =	vst v63  }
0x3c: {  	s30 =	simm.s32 $0x0;
	s26 =	simm.s32 @!p0 $0x1;
	_ =	swait.ge @!p0 [sflag:s29], $0x4000  }
0x3d: {  	s26 =	simm.s32 @p0 $0x2;
	s25 =	simm.s32 $0x1;
	[sflag:s29] =	ssyncset.done @!p0 $0x0  }
0x3e: {  	s28 =	simm.s32 $0x2000;
	[sflag:s29] =	ssyncadd.s32 @!p0 $0xFFFFC000;
	s29 =	simm.s32 $0x80  }
.LBB2_2:
0x3f: {  	s25 =	sadd.s32 $0x1, s25  }
0x40: {  	s28 =	sadd.s32 $0x80, s28;
	s29 =	sadd.s32 $0x80, s29;
	s30 =	sadd.s32 $0x4000, s30  }
0x41: {  	p0 =	sge.u32 s25, s6;
	_ =	swait.ge [sflag:s26], $0x4000;
	p1 =	sne.s32 s6, s25  }
0x42: {  	s31 =	sand.u32 @p0 $0x4000, s30;
	s0 =	simm.s32 @p0 $0x80;
	[sflag:s26] =	ssyncset.done $0x0  }
0x43: {  	s3 =	sxor.u32 @!p0 $0xFFFFFFFF, s30;
	s8 =	sand.u32 @!p0 $0x4000, s30;
	s31 =	sadd.s32 @p0 $0x4000, s31  }
0x44: {  	s3 =	sand.u32 @!p0 $0x4000, s3;
	s8 =	sadd.s32 @!p0 $0x4000, s8;
	[sflag:s26] =	ssyncadd.s32 $0xFFFFC000  }
0x45: {  	[spmem:s2] =	stream.indirect.scatter.add.f32 @p0 [tilespmem:s31], [sflag:$0x2], $0x80, s28, s0, $0xb8;
	[tilespmem:$0x1FC00] =	vst v63  }
0x46: {  	s26 =	simm.s32 @!p0 $0x1;
	s0 =	sadd.s32 @!p0 $0x4000, s3;
	s3 =	simm.s32 @!p0 $0x80  }
0x47: {  	[tilespmem:s0], [sflag:$0x1] =	stream.indirect.gather @!p0 [hbm4b:s1+s3], $0x80, s29, s3, $0xb8;
	[tilespmem:$0x1FC00] =	vst v63  }
.Ltmp1:
0x48: {  	s26 =	simm.s32 @p0 $0x2;
	s0 =	simm.s32 @!p0 $0x2;
	(pc) =	sbr.rel @p1 .LBB2_2-.Ltmp1, $4  }
0x49: {  	[spmem:s2] =	stream.indirect.scatter.add.f32 @!p0 [tilespmem:s8], [sflag:$0x2], $0x80, s28, s3, $0xb8;
	[tilespmem:$0x1FC00] =	vst v63  }
0x4a: {  	_ =	swait.ge @!p0 [sflag:s0], $0x4000  }
0x4b: {  	[sflag:s0] =	ssyncset.done @!p0 $0x0  }
0x4c: {  	[sflag:s0] =	ssyncadd.s32 @!p0 $0xFFFFC000  }
.LBB2_3:
0x4d: {  	_ =	swait.ge [sflag:s26], $0x4000  }
0x4e: {  	[sflag:s26] =	ssyncset.done $0x0  }
0x4f: {  	s25 =	simm.s32 $0x0;
	[sflag:s26] =	ssyncadd.s32 $0xFFFFC000  }
0x50: {  	[tilespmem:s25], [sflag:$0x2] =	stream.linear.gather [hbm4b:s10+s25], $0x2000, $0x38;
	[tilespmem:$0x1FC00] =	vst v63  }
0x51: {  	_ =	swait.ge [sflag:s15], $0x2000  }
0x52: {  	[sflag:s15] =	ssyncset.done $0x0  }
0x53: {  	[sflag:s15] =	ssyncadd.s32 $0xFFFFE000  }
0x54: {  	[tilespmem:s23], [sflag:$0x2] =	stream.linear.gather [hbm4b:s11+s25], $0x2000, $0x38;
	[tilespmem:$0x1FC00] =	vst v63  }
0x55: {  	_ =	swait.ge [sflag:s15], $0x2000  }
0x56: {  	[sflag:s15] =	ssyncset.done $0x0  }
0x57: {  	p0 =	sle.u32 s6, $0x1;
	[sflag:s15] =	ssyncadd.s32 $0xFFFFE000  }
0x58: {  	[tilespmem:s20], [sflag:$0x1] =	stream.indirect.gather [hbm4b:s1+s24], $0x80, s25, s24, $0xb8;
	[tilespmem:$0x1FC00] =	vst v63  }
0x59: {  	p1 =	sne.s32 s6, $0x1;
	s0 =	sand.u32 @p0 $0x4000, s25;
	_ =	swait.ge [sflag:s21], $0x4000  }
0x5a: {  	s3 =	sxor.u32 @!p0 $0xFFFFFFFF, s25;
	s8 =	simm.s32 @p0 $0x80;
	[sflag:s21] =	ssyncset.done $0x0  }
0x5b: {  	s0 =	sadd.s32 @p0 $0x4000, s0;
	s3 =	sand.u32 @!p0 $0x4000, s3;
	[sflag:s21] =	ssyncadd.s32 $0xFFFFC000  }
0x5c: {  	[spmem:s2] =	stream.indirect.scatter.add.f32 @p0 [tilespmem:s0], [sflag:$0x2], $0x80, s23, s8, $0xb8;
	[tilespmem:$0x1FC00] =	vst v63  }
0x5d: {  	s3 =	sadd.s32 @!p0 $0x4000, s3;
	s0 =	sand.u32 @!p0 $0x4000, s25;
	s8 =	simm.s32 @!p0 $0x80  }
0x5e: {  	[tilespmem:s3], [sflag:$0x1] =	stream.indirect.gather @!p0 [hbm4b:s1+s8], $0x80, s24, s8, $0xb8;
	[tilespmem:$0x1FC00] =	vst v63  }
.Ltmp2:
0x5f: {  	s0 =	sadd.s32 @!p0 $0x4000, s0;
	s3 =	simm.s32 @!p0 $0x2;
	(pc) =	sbr.rel @!p1 .LBB2_5-.Ltmp2, $4  }
0x60: {  	[spmem:s2] =	stream.indirect.scatter.add.f32 @!p0 [tilespmem:s0], [sflag:$0x2], $0x80, s23, s8, $0xb8;
	[tilespmem:$0x1FC00] =	vst v63  }
0x61: {  	_ =	swait.ge @!p0 [sflag:s3], $0x4000  }
0x62: {  	s26 =	simm.s32 @!p0 $0x1;
	[sflag:s3] =	ssyncset.done @!p0 $0x0  }
0x63: {  	s28 =	simm.s32 $0x1;
	s26 =	simm.s32 @p0 $0x2;
	[sflag:s3] =	ssyncadd.s32 @!p0 $0xFFFFC000  }
.LBB2_4:
0x64: {  	s28 =	sadd.s32 $0x1, s28  }
0x65: {  	s23 =	sadd.s32 $0x80, s23;
	s24 =	sadd.s32 $0x80, s24;
	s25 =	sadd.s32 $0x4000, s25  }
0x66: {  	p0 =	sge.u32 s28, s6;
	_ =	swait.ge [sflag:s26], $0x4000;
	p1 =	sne.s32 s6, s28  }
0x67: {  	s0 =	sand.u32 @p0 $0x4000, s25;
	s3 =	simm.s32 @p0 $0x80;
	[sflag:s26] =	ssyncset.done $0x0  }
0x68: {  	s8 =	sxor.u32 @!p0 $0xFFFFFFFF, s25;
	s29 =	sand.u32 @!p0 $0x4000, s25;
	s0 =	sadd.s32 @p0 $0x4000, s0  }
0x69: {  	s8 =	sand.u32 @!p0 $0x4000, s8;
	s29 =	sadd.s32 @!p0 $0x4000, s29;
	[sflag:s26] =	ssyncadd.s32 $0xFFFFC000  }
0x6a: {  	[spmem:s2] =	stream.indirect.scatter.add.f32 @p0 [tilespmem:s0], [sflag:$0x2], $0x80, s23, s3, $0xb8;
	[tilespmem:$0x1FC00] =	vst v63  }
0x6b: {  	s26 =	simm.s32 @!p0 $0x1;
	s0 =	sadd.s32 @!p0 $0x4000, s8;
	s3 =	simm.s32 @!p0 $0x80  }
0x6c: {  	[tilespmem:s0], [sflag:$0x1] =	stream.indirect.gather @!p0 [hbm4b:s1+s3], $0x80, s24, s3, $0xb8;
	[tilespmem:$0x1FC00] =	vst v63  }
.Ltmp3:
0x6d: {  	s26 =	simm.s32 @p0 $0x2;
	s0 =	simm.s32 @!p0 $0x2;
	(pc) =	sbr.rel @p1 .LBB2_4-.Ltmp3, $4  }
0x6e: {  	[spmem:s2] =	stream.indirect.scatter.add.f32 @!p0 [tilespmem:s29], [sflag:$0x2], $0x80, s23, s3, $0xb8;
	[tilespmem:$0x1FC00] =	vst v63  }
0x6f: {  	_ =	swait.ge @!p0 [sflag:s0], $0x4000  }
0x70: {  	[sflag:s0] =	ssyncset.done @!p0 $0x0  }
0x71: {  	[sflag:s0] =	ssyncadd.s32 @!p0 $0xFFFFC000  }
.LBB2_5:
0x72: {  	_ =	swait.ge [sflag:s26], $0x4000  }
0x73: {  	s22 =	sadd.s32 $0x1, s22;
	[sflag:s26] =	ssyncset.done $0x0  }
0x74: {  	p0 =	sne.s32 s22, s13;
	[sflag:s26] =	ssyncadd.s32 $0xFFFFC000  }
.Ltmp4:
0x75: {  	[bflag:$0x0] =	sbarrier.arrive $0xFFFF;
	(pc) =	sbr.rel @p0 .LBB2_1-.Ltmp4, $4  }
0x76: {  	[hbm:s12], [sflag:s7] =	dma.local [spmem:s14], $0x2780  }
0x77: {  	_ =	swait.ge [sflag:s15], $0x2780  }
0x78: {  	[sflag:s15] =	ssyncset.done $0x0  }
0x79: {  	[sflag:s15] =	ssyncadd.s32 $0xFFFFD880  }
0x7a: {  	_ =	sfence.sel $0x180000  }
0x7b: {  	[bflag:$0x0] =	sbarrier.arrive $0xFFFF  }
0x7c: {  	_ =	strace $0x9000004A  }
0x7d: {  	s0 =	stileid.u32;
	[bflag:$0x2] =	sbarrier.arrive $0xFFFF  }
0x7e: {  	p0 =	sne.s32 s0, $0x0;
	s0 =	rddreg [dreg:$0x3]  }
0x7f: {  	s0 =	sadd.s32 @!p0 $0x100000, s0  }
0x80: {  	[sflag:s0] =	ssyncadd.tile.s32 @!p0 $0x1;
	_ =	shalt  }
.Lfunc_end2:
_tile_overlayer_lowered:
.L_overlay_start_2:
0x81: {  	(tag) =	ssettag $0x2  }
0x82: {  	s0 =	rddreg [dreg:$0x0];
	s2 =	stileid.u32  }
0x83: {  	s1 =	rddreg [dreg:$0x1];
	p0 =	sne.s32 s2, $0x0  }
0x84: {  	s3 =	rddreg [dreg:$0x2];
	[bflag:$0x3] =	sbarrier.arrive $0xFFFF;
	s2 =	simm.s32 @!p0 $0x1C02  }
0x85: {  	[timem:s3], [sflag:s2] =	dma.local @!p0 [hbm:s0], s1  }
0x86: {  	s0 =	simm.s32 @!p0 $0x2  }
0x87: {  	_ =	swait.ge @!p0 [sflag:s0], s1  }
0x88: {  	s1 =	ssub.s32 @!p0 $0x0, s1;
	[sflag:s0] =	ssyncset.done @!p0 $0x0  }
0x89: {  	[sflag:s0] =	ssyncadd.s32 @!p0 s1  }
0x8a: {  	[bflag:$0x3] =	sbarrier.arrive $0xFFFF  }
0x8b: {  	_ =	shalt  }

</sc_bundles>
